<compile_context>
chip_gen: v7x
topology: tpu7x:2x2x1
jax: 0.10.2.dev20260603
libtpu: 0.0.44.dev20260713+nightly
codegen_flags: <defaults>
</compile_context>

<pallas_src>
import functools

import jax
import jax.numpy as jnp
from jax import lax
from jax.experimental import pallas as pl
from jax.experimental.pallas import tpu as pltpu
from jax.experimental.pallas import tpu_sc as plsc

_R2 = 0.2 * 0.2
_NS = 32
_N = 4096
_NP = 1024
_B = 2
_CIN = 64
_COUT = 64
_DP = 128
_NC, _NSUB = 2, 16
_NW = _NC * _NSUB
_CPW = (_B * _NP) // _NW



def _fps_body(p0_ref, p1_ref, s0_ref, s1_ref, nx_ref, ny_ref, nz_ref):
    row = lax.broadcasted_iota(jnp.int32, (32, 128), 0)
    col = lax.broadcasted_iota(jnp.int32, (32, 128), 1)
    gidf = (row * 128 + col).astype(jnp.float32)
    refs = (p0_ref, p1_ref)
    srefs = (s0_ref, s1_ref)
    outs = (nx_ref, ny_ref, nz_ref)

    def body(t, carry):
        d0, d1, c0, c1 = carry
        ccs = (c0, c1)
        for b in range(2):
            for ci in range(3):
                outs[ci][b, t] = ccs[b][ci]
        ds_ = [None] * 2
        ms = [None] * 2
        ls = [None] * 2
        for b, d in enumerate((d0, d1)):
            p3 = refs[b][...]
            cx, cy, cz = ccs[b]
            dx0 = p3[0] - cx
            dx1 = p3[1] - cy
            dx2 = p3[2] - cz
            dd = (dx0 * dx0 + dx1 * dx1) + dx2 * dx2
            ds_[b] = jnp.minimum(d, dd)
        for b in range(2):
            ms[b] = jnp.max(ds_[b], axis=(0, 1), keepdims=True)
        for b in range(2):
            ls[b] = jnp.min(jnp.where(ds_[b] == ms[b], gidf, float(_N)))
        newc = []
        for b in range(2):
            li = ls[b].astype(jnp.int32)
            newc.append((srefs[b][0, li], srefs[b][1, li], srefs[b][2, li]))
        return (ds_[0], ds_[1], newc[0], newc[1])

    dinit = jnp.full((32, 128), 1e10, jnp.float32)
    init = (dinit, dinit,
            (s0_ref[0, 0], s0_ref[1, 0], s0_ref[2, 0]),
            (s1_ref[0, 0], s1_ref[1, 0], s1_ref[2, 0]))
    lax.fori_loop(0, _NP, body, init)


def _fps(points):
    pts = jnp.transpose(points, (0, 2, 1))
    p3 = pts.reshape(_B, 3, 32, 128)
    out = pl.pallas_call(
        _fps_body,
        out_shape=[jax.ShapeDtypeStruct((_B, _NP), jnp.float32)] * 3,
        in_specs=[pl.BlockSpec(memory_space=pltpu.VMEM)] * 2
        + [pl.BlockSpec(memory_space=pltpu.SMEM)] * 2,
        out_specs=[pl.BlockSpec(memory_space=pltpu.SMEM)] * 3,
    )(p3[0], p3[1], pts[0], pts[1])
    return out



@functools.cache
def _sc_mesh():
    return plsc.VectorSubcoreMesh(core_axis_name="c", subcore_axis_name="s",
                                  num_cores=_NC, num_subcores=_NSUB)


@functools.cache
def _build_ballq():
  return pl.kernel(
    _ballq_body,
    out_type=jax.ShapeDtypeStruct((_B * _NP, _NS), jnp.int32),
    mesh=_sc_mesh(),
    compiler_params=pltpu.CompilerParams(needs_layout_passes=False),
    scratch_types=[
        pltpu.VMEM((_N,), jnp.float32),
        pltpu.VMEM((_N,), jnp.float32),
        pltpu.VMEM((_N,), jnp.float32),
        pltpu.VMEM((_CPW,), jnp.float32),
        pltpu.VMEM((_CPW,), jnp.float32),
        pltpu.VMEM((_CPW,), jnp.float32),
        pltpu.VMEM((96, ), jnp.int32),
        pltpu.VMEM((8, _NS), jnp.int32),
    ],
  )


def _ballq_body(xf, yf, zf, nxf, nyf, nzf, idx_hbm,
                xw, yw, zw, cxw, cyw, czw, buf, rowbuf):
    wid = lax.axis_index("s") * _NC + lax.axis_index("c")
    b = wid // _NSUB
    cbase = wid * _CPW
    pltpu.sync_copy(xf.at[pl.ds(b * _N, _N)], xw)
    pltpu.sync_copy(yf.at[pl.ds(b * _N, _N)], yw)
    pltpu.sync_copy(zf.at[pl.ds(b * _N, _N)], zw)
    pltpu.sync_copy(nxf.at[pl.ds(cbase, _CPW)], cxw)
    pltpu.sync_copy(nyf.at[pl.ds(cbase, _CPW)], cyw)
    pltpu.sync_copy(nzf.at[pl.ds(cbase, _CPW)], czw)
    boff = b * _N
    lane = lax.iota(jnp.int32, 16)

    def center_body(g, ci8, _):
        ci = g * 8 + ci8
        ci_splat = jnp.full((16,), ci, jnp.int32)
        cx = plsc.load_gather(cxw, [ci_splat])
        cy = plsc.load_gather(cyw, [ci_splat])
        cz = plsc.load_gather(czw, [ci_splat])

        def cond(st):
            j, cnt = st
            return jnp.logical_and(j < _N // 16, cnt < _NS)

        def chunk(st):
            j, cnt = st
            for u in range(4):
                xv = xw[pl.ds(j * 16, 16)]
                yv = yw[pl.ds(j * 16, 16)]
                zv = zw[pl.ds(j * 16, 16)]
                dx, dy, dz = xv - cx, yv - cy, zv - cz
                d2 = dx * dx + dy * dy + dz * dz
                m = d2 < _R2
                plsc.store_compressed(buf.at[pl.ds(cnt, 16)],
                                      lane + j * 16, mask=m)
                cnt = cnt + plsc.all_reduce_population_count(m)[0]
                j = j + 1
            return (j, cnt)

        _, cnt = lax.while_loop(
            cond, chunk, (jnp.int32(0), jnp.int32(0)))
        vcnt = jnp.minimum(cnt, _NS)
        v0 = buf[pl.ds(0, 16)]
        v1 = buf[pl.ds(16, 16)]
        first = jnp.full((16,), v0[0], jnp.int32)
        rowbuf[ci8, pl.ds(0, 16)] = jnp.where(lane < vcnt, v0, first) + boff
        rowbuf[ci8, pl.ds(16, 16)] = (
            jnp.where(lane + 16 < vcnt, v1, first) + boff)
        return 0

    def group_body(g, _):
        lax.fori_loop(0, 8, functools.partial(center_body, g), 0)
        pltpu.sync_copy(rowbuf, idx_hbm.at[pl.ds(cbase + g * 8, 8)])
        return 0

    lax.fori_loop(0, _CPW // 8, group_body, 0)



_ROWS_PW = (_B * _NP * _NS) // _NW
_CHUNK = 128


@functools.cache
def _build_gather():
  return pl.kernel(
    _gather_body,
    out_type=jax.ShapeDtypeStruct((_B * _NP * _NS, _DP), jnp.float32),
    mesh=_sc_mesh(),
    compiler_params=pltpu.CompilerParams(needs_layout_passes=False),
    scratch_types=[
        pltpu.VMEM((_CHUNK,), jnp.int32),
        pltpu.VMEM((_CHUNK, _DP), jnp.float32),
        pltpu.SemaphoreType.DMA,
    ],
  )


def _gather_body(t_hbm, idx_hbm, g_hbm, idxv, rows, sem):
    wid = lax.axis_index("s") * _NC + lax.axis_index("c")
    base = wid * _ROWS_PW

    def body(k, _):
        o = base + k * _CHUNK
        pltpu.sync_copy(idx_hbm.at[pl.ds(o, _CHUNK)], idxv)
        pltpu.async_copy(t_hbm.at[idxv], rows, sem).wait()
        pltpu.sync_copy(rows, g_hbm.at[pl.ds(o, _CHUNK)])
        return 0

    lax.fori_loop(0, _ROWS_PW // _CHUNK, body, 0)



def _mm_body(g_ref, w_ref, nx_ref, a_ref, o_ref):
    acc = jnp.dot(g_ref[...], w_ref[...], preferred_element_type=jnp.float32)
    corr = jnp.dot(nx_ref[...], a_ref[...], preferred_element_type=jnp.float32)
    o_ref[...] = acc - corr


def _conv(g2, w2, nxp, a2):
    blk = 256
    grid = (_B * _NP) // blk
    return pl.pallas_call(
        _mm_body,
        grid=(grid,),
        in_specs=[
            pl.BlockSpec((blk, _NS * _DP), lambda i: (i, 0)),
            pl.BlockSpec((_NS * _DP, _COUT), lambda i: (0, 0)),
            pl.BlockSpec((blk, 128), lambda i: (i, 0)),
            pl.BlockSpec((128, _COUT), lambda i: (0, 0)),
        ],
        out_specs=pl.BlockSpec((blk, _COUT), lambda i: (i, 0)),
        out_shape=jax.ShapeDtypeStruct((_B * _NP, _COUT), jnp.float32),
    )(g2, w2, nxp, a2)



def kernel(points, features, W):
    B, N, _ = points.shape
    assert (B, N) == (_B, _N)
    nx, ny, nz = _fps(points)

    pts_t = jnp.transpose(points, (0, 2, 1))
    xf = pts_t[:, 0].reshape(-1)
    yf = pts_t[:, 1].reshape(-1)
    zf = pts_t[:, 2].reshape(-1)
    idx = _build_ballq()(xf, yf, zf,
                         nx.reshape(-1), ny.reshape(-1), nz.reshape(-1))

    table = jnp.concatenate(
        [points, features, jnp.zeros((B, N, _DP - 3 - _CIN), jnp.float32)],
        axis=-1).reshape(B * N, _DP)
    g = _build_gather()(table, idx.reshape(-1))

    wm = W[:, :, 0, :]
    w2 = jnp.pad(jnp.transpose(wm, (2, 1, 0)),
                 ((0, 0), (0, _DP - 3 - _CIN), (0, 0))).reshape(_NS * _DP, _COUT)
    a2 = jnp.pad(jnp.sum(wm[:, :3, :], axis=-1).T, ((0, 125), (0, 0)))
    new_xyz = jnp.stack([nx, ny, nz], axis=-1)
    nxp = jnp.pad(new_xyz.reshape(B * _NP, 3), ((0, 0), (0, 125)))

    conv = _conv(g.reshape(B * _NP, _NS * _DP), w2, nxp, a2)
    return (new_xyz, conv.reshape(B, _NP, _COUT))

# --- scband reference (transcript-rebuilt; emitter-appended) ---
"""Pipeline reference for scband-point-conv-59296318489053 (READ-ONLY COPY).

The authoritative reference and input builder live on the scoring server;
editing this copy changes nothing except your own understanding.
"""

import jax, jax.numpy as jnp
import numpy as np

RADIUS = 0.2
NSAMPLE = 32
STRIDE = 4
IN_CH = 64
OUT_CH = 64


def fps(xyz, npoint):
    # furthest point sampling, xyz: (B, N, 3) -> inds (B, npoint) int32
    B, N, _ = xyz.shape
    inds0 = jnp.zeros((B, npoint), dtype=jnp.int32)
    dists0 = jnp.full((B, N), 1e10, dtype=jnp.float32)
    last0 = jnp.zeros((B,), dtype=jnp.int32)
    inds0 = inds0.at[:, 0].set(0)

    def body(i, state):
        inds, dists, last = state
        cur = jnp.take_along_axis(xyz, last[:, None, None].astype(jnp.int32), axis=1)  # (B,1,3)
        d = jnp.sum((xyz - cur) ** 2, axis=-1)  # (B,N)
        dists = jnp.minimum(dists, d)
        nxt = jnp.argmax(dists, axis=-1).astype(jnp.int32)
        inds = inds.at[:, i].set(nxt)
        return (inds, dists, nxt)

    inds, _, _ = jax.lax.fori_loop(1, npoint, body, (inds0, dists0, last0))
    return inds


def ball_query(xyz, new_xyz, radius, nsample):
    # xyz: (B,N,3), new_xyz: (B,npoint,3) -> idx (B,npoint,nsample) int32
    B, N, _ = xyz.shape
    d2 = jnp.sum((new_xyz[:, :, None, :] - xyz[:, None, :, :]) ** 2, axis=-1)  # (B,npoint,N)
    mask = d2 < (radius * radius)
    ar = jnp.arange(N, dtype=jnp.int32)
    cand = jnp.where(mask, ar[None, None, :], jnp.int32(N))
    idx = jnp.sort(cand, axis=-1)[:, :, :nsample]  # first nsample in-range indices (CUDA ball_query order)
    first = idx[:, :, :1]
    idx = jnp.where(idx == N, first, idx)  # pad with first neighbor (center itself is always in-range)
    idx = jnp.minimum(idx, N - 1)
    return idx


def setup_inputs(seed: int = 0) -> dict:
    key = jax.random.key(seed)
    k1, k2, k3 = jax.random.split(key, 3)
    points = jax.random.uniform(k1, (2, 4096, 3), dtype=jnp.float32)
    features = jax.random.normal(k2, (2, 4096, IN_CH), dtype=jnp.float32)
    fan_in = (IN_CH + 3) * NSAMPLE
    W = jax.random.normal(k3, (OUT_CH, IN_CH + 3, 1, NSAMPLE), dtype=jnp.float32) * (1.0 / np.sqrt(fan_in))
    return {"points": points, "features": features, "W": W}


def reference(points, features, W):
    B, N, _ = points.shape
    npoint = (N + STRIDE - 1) // STRIDE
    pts_sg = jax.lax.stop_gradient(points)
    inds = fps(pts_sg, npoint)  # (B, npoint), non-differentiable (matches CUDA op)
    new_xyz = jnp.take_along_axis(points, inds[:, :, None], axis=1)  # (B, npoint, 3)
    idx = ball_query(pts_sg, jax.lax.stop_gradient(new_xyz), RADIUS, NSAMPLE)  # (B, npoint, nsample)
    # grouping_operation: gather xyz and features at neighbor indices
    grouped_xyz = jax.vmap(lambda x, i: x[i])(points, idx)  # (B, npoint, nsample, 3)
    rel_xyz = grouped_xyz - new_xyz[:, :, None, :]
    feats_cn = jnp.transpose(features, (0, 2, 1))  # (B, C, N)
    grouped_feats = jax.vmap(lambda f, i: f[:, i])(feats_cn, idx)  # (B, C, npoint, nsample)
    rel_xyz_c = jnp.transpose(rel_xyz, (0, 3, 1, 2))  # (B, 3, npoint, nsample)
    new_features = jnp.concatenate([rel_xyz_c, grouped_feats], axis=1)  # (B, C+3, npoint, nsample)
    # Conv2d kernel (1, nsample), no padding, no bias -> contraction over (C+3, nsample)
    conv = jnp.einsum('bcps,ocs->bop', new_features, W[:, :, 0, :])  # (B, OUT_CH, npoint)
    conv_features = jnp.transpose(conv, (0, 2, 1))  # (B, npoint, OUT_CH)
    selected_xyz = new_xyz  # torch.gather of xyz at inds
    return (selected_xyz, conv_features)

if __name__ == "__main__":
    import jax
    _d = setup_inputs()
    print(jax.jit(kernel)(*tuple(_d.values())))

</pallas_src>

<mosaic_0001>
#map = affine_map<(d0, d1) -> (0, 0)>
#map1 = affine_map<(d0, d1) -> (0)>
module attributes {stable_mosaic.version = 14 : i64} {
  func.func @_gather_body(%arg0: i32, %arg1: i32, %arg2: memref<8192x128xf32, #tpu.memory_space<hbm>>, %arg3: memref<65536xi32, #tpu.memory_space<hbm>>, %arg4: memref<65536x128xf32, #tpu.memory_space<hbm>>, %arg5: memref<128xi32, #tpu.memory_space<vmem>>, %arg6: memref<128x128xf32, #tpu.memory_space<vmem>>, %arg7: memref<!tpu.dma_semaphore, #tpu.memory_space<semaphore_mem>>) attributes {dimension_semantics = [#tpu.dimension_semantics<core_parallel>, #tpu.dimension_semantics<subcore_parallel>], iteration_bounds = array<i64: 2, 16>, scalar_prefetch = 0 : i64, scratch_operands = 3 : i64, tpu.core_type = #tpu.core_type<sc_vector_subcore>, window_params = [{transform_indices = #map}, {transform_indices = #map1}, {transform_indices = #map}]} {
    %mul3A = arith.constant 2 : i32
    %mul3A_0 = arith.muli %arg1, %mul3A : i32
    %add3A = arith.addi %mul3A_0, %arg0 : i32
    %mul3A_1 = arith.constant 2048 : i32
    %mul3A_2 = arith.muli %add3A, %mul3A_1 : i32
    %scan3A = arith.constant 0 : i32
    %scan3A_3 = arith.constant 0 : i32
    %scan3A_4 = arith.constant 16 : i32
    %scan3A_5 = arith.addi %scan3A_3, %scan3A_4 : i32
    %scan3A_6 = arith.constant 1 : i32
    %scan3A_7 = scf.for %scan3A_9 = %scan3A_3 to %scan3A_5 step %scan3A_6 iter_args(%scan3A_10 = %scan3A) -> (i32)  : i32 {
      %mul3A_11 = arith.constant 128 : i32
      %mul3A_12 = arith.muli %scan3A_9, %mul3A_11 : i32
      %add3A_13 = arith.addi %mul3A_2, %mul3A_12 : i32
      "tpu.region"() ({
        %run_scoped3A = tpu.sem_alloc : memref<!tpu.dma_semaphore, #tpu.memory_space<semaphore_mem>>
        %dma_start3A_19 = tpu.memref_slice %arg3[%add3A_13] : memref<65536xi32, #tpu.memory_space<hbm>> -> memref<128xi32, #tpu.memory_space<hbm>>
        %dma_start3A_20 = tpu.memref_slice %arg3[%add3A_13] : memref<65536xi32, #tpu.memory_space<hbm>> -> memref<128xi32, #tpu.memory_space<hbm>>
        tpu.enqueue_dma source(%dma_start3A_20 : memref<128xi32, #tpu.memory_space<hbm>>) target(%arg5 : memref<128xi32, #tpu.memory_space<vmem>>) target_semaphore(%run_scoped3A : memref<!tpu.dma_semaphore, #tpu.memory_space<semaphore_mem>>)
        %dma_wait3A_21 = tpu.memref_slice %arg3[%add3A_13] : memref<65536xi32, #tpu.memory_space<hbm>> -> memref<128xi32, #tpu.memory_space<hbm>>
        %dma_wait3A_22 = tpu.memref_slice %arg3[%add3A_13] : memref<65536xi32, #tpu.memory_space<hbm>> -> memref<128xi32, #tpu.memory_space<hbm>>
        tpu.wait_dma2 semaphore(%run_scoped3A : memref<!tpu.dma_semaphore, #tpu.memory_space<semaphore_mem>>) src(%dma_wait3A_22 : memref<128xi32, #tpu.memory_space<hbm>>) dst(%arg5 : memref<128xi32, #tpu.memory_space<vmem>>)
        tpu.yield
      }) : () -> ()
      %dma_start3A = arith.constant 0 : i32
      %dma_start3A_14 = arith.constant 0 : i32
      %dma_start3A_15 = tpu.memref_slice %arg2[%dma_start3A, %dma_start3A_14] : memref<8192x128xf32, #tpu.memory_space<hbm>> -> memref<8192x128xf32, #tpu.memory_space<hbm>>
      tpu.enqueue_indirect_dma source(%dma_start3A_15 : memref<8192x128xf32, #tpu.memory_space<hbm>>) target(%arg6 : memref<128x128xf32, #tpu.memory_space<vmem>>) offsets(%arg5 : memref<128xi32, #tpu.memory_space<vmem>>) semaphore(%arg7 : memref<!tpu.dma_semaphore, #tpu.memory_space<semaphore_mem>>)
      %dma_wait3A = arith.constant 0 : i32
      %dma_wait3A_16 = arith.constant 0 : i32
      %dma_wait3A_17 = tpu.memref_slice %arg2[%dma_wait3A, %dma_wait3A_16] : memref<8192x128xf32, #tpu.memory_space<hbm>> -> memref<8192x128xf32, #tpu.memory_space<hbm>>
      tpu.wait_indirect_dma semaphore(%arg7 : memref<!tpu.dma_semaphore, #tpu.memory_space<semaphore_mem>>) src(%dma_wait3A_17 : memref<8192x128xf32, #tpu.memory_space<hbm>>) dst(%arg6 : memref<128x128xf32, #tpu.memory_space<vmem>>)
      "tpu.region"() ({
        %run_scoped3A = tpu.sem_alloc : memref<!tpu.dma_semaphore, #tpu.memory_space<semaphore_mem>>
        %dma_start3A_19 = arith.constant 0 : i32
        %dma_start3A_20 = tpu.memref_slice %arg4[%add3A_13, %dma_start3A_19] : memref<65536x128xf32, #tpu.memory_space<hbm>> -> memref<128x128xf32, #tpu.memory_space<hbm>>
        %dma_start3A_21 = arith.constant 0 : i32
        %dma_start3A_22 = tpu.memref_slice %arg4[%add3A_13, %dma_start3A_21] : memref<65536x128xf32, #tpu.memory_space<hbm>> -> memref<128x128xf32, #tpu.memory_space<hbm>>
        tpu.enqueue_dma source(%arg6 : memref<128x128xf32, #tpu.memory_space<vmem>>) target(%dma_start3A_22 : memref<128x128xf32, #tpu.memory_space<hbm>>) target_semaphore(%run_scoped3A : memref<!tpu.dma_semaphore, #tpu.memory_space<semaphore_mem>>)
        %dma_wait3A_23 = arith.constant 0 : i32
        %dma_wait3A_24 = tpu.memref_slice %arg4[%add3A_13, %dma_wait3A_23] : memref<65536x128xf32, #tpu.memory_space<hbm>> -> memref<128x128xf32, #tpu.memory_space<hbm>>
        %dma_wait3A_25 = arith.constant 0 : i32
        %dma_wait3A_26 = tpu.memref_slice %arg4[%add3A_13, %dma_wait3A_25] : memref<65536x128xf32, #tpu.memory_space<hbm>> -> memref<128x128xf32, #tpu.memory_space<hbm>>
        tpu.wait_dma2 semaphore(%run_scoped3A : memref<!tpu.dma_semaphore, #tpu.memory_space<semaphore_mem>>) src(%arg6 : memref<128x128xf32, #tpu.memory_space<vmem>>) dst(%dma_wait3A_26 : memref<128x128xf32, #tpu.memory_space<hbm>>)
        tpu.yield
      }) : () -> ()
      %scan3A_18 = arith.constant 0 : i32
      scf.yield %scan3A_18 : i32
    }
    %scan3A_8 = arith.constant 16 : i32
    return
  }
}

#map = affine_map<(d0, d1) -> (0)>
#map1 = affine_map<(d0, d1) -> (0, 0)>
module attributes {stable_mosaic.version = 14 : i64} {
  func.func @_ballq_body(%arg0: i32, %arg1: i32, %arg2: memref<8192xf32, #tpu.memory_space<hbm>>, %arg3: memref<8192xf32, #tpu.memory_space<hbm>>, %arg4: memref<8192xf32, #tpu.memory_space<hbm>>, %arg5: memref<2048xf32, #tpu.memory_space<hbm>>, %arg6: memref<2048xf32, #tpu.memory_space<hbm>>, %arg7: memref<2048xf32, #tpu.memory_space<hbm>>, %arg8: memref<2048x32xi32, #tpu.memory_space<hbm>>, %arg9: memref<4096xf32, #tpu.memory_space<vmem>>, %arg10: memref<4096xf32, #tpu.memory_space<vmem>>, %arg11: memref<4096xf32, #tpu.memory_space<vmem>>, %arg12: memref<64xf32, #tpu.memory_space<vmem>>, %arg13: memref<64xf32, #tpu.memory_space<vmem>>, %arg14: memref<64xf32, #tpu.memory_space<vmem>>, %arg15: memref<96xi32, #tpu.memory_space<vmem>>, %arg16: memref<8x32xi32, #tpu.memory_space<vmem>>) attributes {dimension_semantics = [#tpu.dimension_semantics<core_parallel>, #tpu.dimension_semantics<subcore_parallel>], iteration_bounds = array<i64: 2, 16>, scalar_prefetch = 0 : i64, scratch_operands = 8 : i64, tpu.core_type = #tpu.core_type<sc_vector_subcore>, window_params = [{transform_indices = #map}, {transform_indices = #map}, {transform_indices = #map}, {transform_indices = #map}, {transform_indices = #map}, {transform_indices = #map}, {transform_indices = #map1}]} {
    %mul3A = arith.constant 2 : i32
    %mul3A_0 = arith.muli %arg1, %mul3A : i32
    %add3A = arith.addi %mul3A_0, %arg0 : i32
    %jit3A = arith.constant 16 : i32
    %div3A = arith.divsi %add3A, %jit3A : i32
    %sign3A = arith.constant 0 : i32
    %sign3A_1 = arith.cmpi sgt, %add3A, %sign3A : i32
    %sign3A_2 = arith.extui %sign3A_1 : i1 to i32
    %sign3A_3 = arith.constant 0 : i32
    %sign3A_4 = arith.cmpi slt, %add3A, %sign3A_3 : i32
    %sign3A_5 = arith.extui %sign3A_4 : i1 to i32
    %sign3A_6 = arith.subi %sign3A_2, %sign3A_5 : i32
    %sign3A_7 = arith.constant 0 : i32
    %sign3A_8 = arith.cmpi sgt, %jit3A, %sign3A_7 : i32
    %sign3A_9 = arith.extui %sign3A_8 : i1 to i32
    %sign3A_10 = arith.constant 0 : i32
    %sign3A_11 = arith.cmpi slt, %jit3A, %sign3A_10 : i32
    %sign3A_12 = arith.extui %sign3A_11 : i1 to i32
    %sign3A_13 = arith.subi %sign3A_9, %sign3A_12 : i32
    %ne3A = arith.cmpi ne, %sign3A_6, %sign3A_13 : i32
    %rem3A = arith.remsi %add3A, %jit3A : i32
    %ne3A_14 = arith.constant 0 : i32
    %ne3A_15 = arith.cmpi ne, %rem3A, %ne3A_14 : i32
    %and3A = arith.andi %ne3A, %ne3A_15 : i1
    %sub3A = arith.constant 1 : i32
    %sub3A_16 = arith.subi %div3A, %sub3A : i32
    %select_n3A = arith.select %and3A, %sub3A_16, %div3A : i32
    %mul3A_17 = arith.constant 64 : i32
    %mul3A_18 = arith.muli %add3A, %mul3A_17 : i32
    %mul3A_19 = arith.constant 4096 : i32
    %mul3A_20 = arith.muli %select_n3A, %mul3A_19 : i32
    "tpu.region"() ({
      %run_scoped3A = tpu.sem_alloc : memref<!tpu.dma_semaphore, #tpu.memory_space<semaphore_mem>>
      %dma_start3A = tpu.memref_slice %arg2[%mul3A_20] : memref<8192xf32, #tpu.memory_space<hbm>> -> memref<4096xf32, #tpu.memory_space<hbm>>
      %dma_start3A_33 = tpu.memref_slice %arg2[%mul3A_20] : memref<8192xf32, #tpu.memory_space<hbm>> -> memref<4096xf32, #tpu.memory_space<hbm>>
      tpu.enqueue_dma source(%dma_start3A_33 : memref<4096xf32, #tpu.memory_space<hbm>>) target(%arg9 : memref<4096xf32, #tpu.memory_space<vmem>>) target_semaphore(%run_scoped3A : memref<!tpu.dma_semaphore, #tpu.memory_space<semaphore_mem>>)
      %dma_wait3A = tpu.memref_slice %arg2[%mul3A_20] : memref<8192xf32, #tpu.memory_space<hbm>> -> memref<4096xf32, #tpu.memory_space<hbm>>
      %dma_wait3A_34 = tpu.memref_slice %arg2[%mul3A_20] : memref<8192xf32, #tpu.memory_space<hbm>> -> memref<4096xf32, #tpu.memory_space<hbm>>
      tpu.wait_dma2 semaphore(%run_scoped3A : memref<!tpu.dma_semaphore, #tpu.memory_space<semaphore_mem>>) src(%dma_wait3A_34 : memref<4096xf32, #tpu.memory_space<hbm>>) dst(%arg9 : memref<4096xf32, #tpu.memory_space<vmem>>)
      tpu.yield
    }) : () -> ()
    %mul3A_21 = arith.constant 4096 : i32
    %mul3A_22 = arith.muli %select_n3A, %mul3A_21 : i32
    "tpu.region"() ({
      %run_scoped3A = tpu.sem_alloc : memref<!tpu.dma_semaphore, #tpu.memory_space<semaphore_mem>>
      %dma_start3A = tpu.memref_slice %arg3[%mul3A_22] : memref<8192xf32, #tpu.memory_space<hbm>> -> memref<4096xf32, #tpu.memory_space<hbm>>
      %dma_start3A_33 = tpu.memref_slice %arg3[%mul3A_22] : memref<8192xf32, #tpu.memory_space<hbm>> -> memref<4096xf32, #tpu.memory_space<hbm>>
      tpu.enqueue_dma source(%dma_start3A_33 : memref<4096xf32, #tpu.memory_space<hbm>>) target(%arg10 : memref<4096xf32, #tpu.memory_space<vmem>>) target_semaphore(%run_scoped3A : memref<!tpu.dma_semaphore, #tpu.memory_space<semaphore_mem>>)
      %dma_wait3A = tpu.memref_slice %arg3[%mul3A_22] : memref<8192xf32, #tpu.memory_space<hbm>> -> memref<4096xf32, #tpu.memory_space<hbm>>
      %dma_wait3A_34 = tpu.memref_slice %arg3[%mul3A_22] : memref<8192xf32, #tpu.memory_space<hbm>> -> memref<4096xf32, #tpu.memory_space<hbm>>
      tpu.wait_dma2 semaphore(%run_scoped3A : memref<!tpu.dma_semaphore, #tpu.memory_space<semaphore_mem>>) src(%dma_wait3A_34 : memref<4096xf32, #tpu.memory_space<hbm>>) dst(%arg10 : memref<4096xf32, #tpu.memory_space<vmem>>)
      tpu.yield
    }) : () -> ()
    %mul3A_23 = arith.constant 4096 : i32
    %mul3A_24 = arith.muli %select_n3A, %mul3A_23 : i32
    "tpu.region"() ({
      %run_scoped3A = tpu.sem_alloc : memref<!tpu.dma_semaphore, #tpu.memory_space<semaphore_mem>>
      %dma_start3A = tpu.memref_slice %arg4[%mul3A_24] : memref<8192xf32, #tpu.memory_space<hbm>> -> memref<4096xf32, #tpu.memory_space<hbm>>
      %dma_start3A_33 = tpu.memref_slice %arg4[%mul3A_24] : memref<8192xf32, #tpu.memory_space<hbm>> -> memref<4096xf32, #tpu.memory_space<hbm>>
      tpu.enqueue_dma source(%dma_start3A_33 : memref<4096xf32, #tpu.memory_space<hbm>>) target(%arg11 : memref<4096xf32, #tpu.memory_space<vmem>>) target_semaphore(%run_scoped3A : memref<!tpu.dma_semaphore, #tpu.memory_space<semaphore_mem>>)
      %dma_wait3A = tpu.memref_slice %arg4[%mul3A_24] : memref<8192xf32, #tpu.memory_space<hbm>> -> memref<4096xf32, #tpu.memory_space<hbm>>
      %dma_wait3A_34 = tpu.memref_slice %arg4[%mul3A_24] : memref<8192xf32, #tpu.memory_space<hbm>> -> memref<4096xf32, #tpu.memory_space<hbm>>
      tpu.wait_dma2 semaphore(%run_scoped3A : memref<!tpu.dma_semaphore, #tpu.memory_space<semaphore_mem>>) src(%dma_wait3A_34 : memref<4096xf32, #tpu.memory_space<hbm>>) dst(%arg11 : memref<4096xf32, #tpu.memory_space<vmem>>)
      tpu.yield
    }) : () -> ()
    "tpu.region"() ({
      %run_scoped3A = tpu.sem_alloc : memref<!tpu.dma_semaphore, #tpu.memory_space<semaphore_mem>>
      %dma_start3A = tpu.memref_slice %arg5[%mul3A_18] : memref<2048xf32, #tpu.memory_space<hbm>> -> memref<64xf32, #tpu.memory_space<hbm>>
      %dma_start3A_33 = tpu.memref_slice %arg5[%mul3A_18] : memref<2048xf32, #tpu.memory_space<hbm>> -> memref<64xf32, #tpu.memory_space<hbm>>
      tpu.enqueue_dma source(%dma_start3A_33 : memref<64xf32, #tpu.memory_space<hbm>>) target(%arg12 : memref<64xf32, #tpu.memory_space<vmem>>) target_semaphore(%run_scoped3A : memref<!tpu.dma_semaphore, #tpu.memory_space<semaphore_mem>>)
      %dma_wait3A = tpu.memref_slice %arg5[%mul3A_18] : memref<2048xf32, #tpu.memory_space<hbm>> -> memref<64xf32, #tpu.memory_space<hbm>>
      %dma_wait3A_34 = tpu.memref_slice %arg5[%mul3A_18] : memref<2048xf32, #tpu.memory_space<hbm>> -> memref<64xf32, #tpu.memory_space<hbm>>
      tpu.wait_dma2 semaphore(%run_scoped3A : memref<!tpu.dma_semaphore, #tpu.memory_space<semaphore_mem>>) src(%dma_wait3A_34 : memref<64xf32, #tpu.memory_space<hbm>>) dst(%arg12 : memref<64xf32, #tpu.memory_space<vmem>>)
      tpu.yield
    }) : () -> ()
    "tpu.region"() ({
      %run_scoped3A = tpu.sem_alloc : memref<!tpu.dma_semaphore, #tpu.memory_space<semaphore_mem>>
      %dma_start3A = tpu.memref_slice %arg6[%mul3A_18] : memref<2048xf32, #tpu.memory_space<hbm>> -> memref<64xf32, #tpu.memory_space<hbm>>
      %dma_start3A_33 = tpu.memref_slice %arg6[%mul3A_18] : memref<2048xf32, #tpu.memory_space<hbm>> -> memref<64xf32, #tpu.memory_space<hbm>>
      tpu.enqueue_dma source(%dma_start3A_33 : memref<64xf32, #tpu.memory_space<hbm>>) target(%arg13 : memref<64xf32, #tpu.memory_space<vmem>>) target_semaphore(%run_scoped3A : memref<!tpu.dma_semaphore, #tpu.memory_space<semaphore_mem>>)
      %dma_wait3A = tpu.memref_slice %arg6[%mul3A_18] : memref<2048xf32, #tpu.memory_space<hbm>> -> memref<64xf32, #tpu.memory_space<hbm>>
      %dma_wait3A_34 = tpu.memref_slice %arg6[%mul3A_18] : memref<2048xf32, #tpu.memory_space<hbm>> -> memref<64xf32, #tpu.memory_space<hbm>>
      tpu.wait_dma2 semaphore(%run_scoped3A : memref<!tpu.dma_semaphore, #tpu.memory_space<semaphore_mem>>) src(%dma_wait3A_34 : memref<64xf32, #tpu.memory_space<hbm>>) dst(%arg13 : memref<64xf32, #tpu.memory_space<vmem>>)
      tpu.yield
    }) : () -> ()
    "tpu.region"() ({
      %run_scoped3A = tpu.sem_alloc : memref<!tpu.dma_semaphore, #tpu.memory_space<semaphore_mem>>
      %dma_start3A = tpu.memref_slice %arg7[%mul3A_18] : memref<2048xf32, #tpu.memory_space<hbm>> -> memref<64xf32, #tpu.memory_space<hbm>>
      %dma_start3A_33 = tpu.memref_slice %arg7[%mul3A_18] : memref<2048xf32, #tpu.memory_space<hbm>> -> memref<64xf32, #tpu.memory_space<hbm>>
      tpu.enqueue_dma source(%dma_start3A_33 : memref<64xf32, #tpu.memory_space<hbm>>) target(%arg14 : memref<64xf32, #tpu.memory_space<vmem>>) target_semaphore(%run_scoped3A : memref<!tpu.dma_semaphore, #tpu.memory_space<semaphore_mem>>)
      %dma_wait3A = tpu.memref_slice %arg7[%mul3A_18] : memref<2048xf32, #tpu.memory_space<hbm>> -> memref<64xf32, #tpu.memory_space<hbm>>
      %dma_wait3A_34 = tpu.memref_slice %arg7[%mul3A_18] : memref<2048xf32, #tpu.memory_space<hbm>> -> memref<64xf32, #tpu.memory_space<hbm>>
      tpu.wait_dma2 semaphore(%run_scoped3A : memref<!tpu.dma_semaphore, #tpu.memory_space<semaphore_mem>>) src(%dma_wait3A_34 : memref<64xf32, #tpu.memory_space<hbm>>) dst(%arg14 : memref<64xf32, #tpu.memory_space<vmem>>)
      tpu.yield
    }) : () -> ()
    %mul3A_25 = arith.constant 4096 : i32
    %mul3A_26 = arith.muli %select_n3A, %mul3A_25 : i32
    %iota3A = tpu.iota {dimensions = array<i32: 0>} : vector<16xi32>
    %scan3A = arith.constant 0 : i32
    %scan3A_27 = arith.constant 0 : i32
    %scan3A_28 = arith.constant 8 : i32
    %scan3A_29 = arith.addi %scan3A_27, %scan3A_28 : i32
    %scan3A_30 = arith.constant 1 : i32
    %scan3A_31 = scf.for %scan3A_33 = %scan3A_27 to %scan3A_29 step %scan3A_30 iter_args(%scan3A_34 = %scan3A) -> (i32)  : i32 {
      %scan3A_35 = arith.constant 0 : i32
      %scan3A_36 = arith.constant 0 : i32
      %scan3A_37 = arith.constant 8 : i32
      %scan3A_38 = arith.addi %scan3A_36, %scan3A_37 : i32
      %scan3A_39 = arith.constant 1 : i32
      %scan3A_40 = scf.for %scan3A_46 = %scan3A_36 to %scan3A_38 step %scan3A_39 iter_args(%scan3A_47 = %scan3A_35) -> (i32)  : i32 {
        %mul3A_48 = arith.constant 8 : i32
        %mul3A_49 = arith.muli %scan3A_33, %mul3A_48 : i32
        %add3A_50 = arith.addi %mul3A_49, %scan3A_46 : i32
        %broadcast_in_dim3A = vector.broadcast %add3A_50 : i32 to vector<16xi32>
        %gather3A = tpu.vector_load_idx %arg12[%broadcast_in_dim3A] : memref<64xf32, #tpu.memory_space<vmem>>[vector<16xi32>], vector<16xf32>,
        %gather3A_51 = tpu.vector_load_idx %arg13[%broadcast_in_dim3A] : memref<64xf32, #tpu.memory_space<vmem>>[vector<16xi32>], vector<16xf32>,
        %gather3A_52 = tpu.vector_load_idx %arg14[%broadcast_in_dim3A] : memref<64xf32, #tpu.memory_space<vmem>>[vector<16xi32>], vector<16xf32>,
        %while3A = arith.constant 0 : i32
        %while3A_53 = arith.constant 0 : i32
        %while3A_54:2 = scf.while (%while3A_78 = %while3A, %while3A_79 = %while3A_53) : (i32, i32) -> (i32, i32) {
          %lt3A_80 = arith.constant 256 : i32
          %lt3A_81 = arith.cmpi slt, %while3A_78, %lt3A_80 : i32
          %lt3A_82 = arith.constant 32 : i32
          %lt3A_83 = arith.cmpi slt, %while3A_79, %lt3A_82 : i32
          %and3A_84 = arith.andi %lt3A_81, %lt3A_83 : i1
          scf.condition(%and3A_84) %while3A_78, %while3A_79 : i32, i32
        } do {
        ^bb0(%while3A_78: i32, %while3A_79: i32):
          %mul3A_80 = arith.constant 16 : i32
          %mul3A_81 = arith.muli %while3A_78, %mul3A_80 : i32
          %get3A_82 = arith.index_cast %mul3A_81 : i32 to index
          %get3A_83 = tpu.vector_load %arg9[%get3A_82] {strides = array<i32>} : memref<4096xf32, #tpu.memory_space<vmem>>, vector<16xf32>,
          %mul3A_84 = arith.constant 16 : i32
          %mul3A_85 = arith.muli %while3A_78, %mul3A_84 : i32
          %get3A_86 = arith.index_cast %mul3A_85 : i32 to index
          %get3A_87 = tpu.vector_load %arg10[%get3A_86] {strides = array<i32>} : memref<4096xf32, #tpu.memory_space<vmem>>, vector<16xf32>,
          %mul3A_88 = arith.constant 16 : i32
          %mul3A_89 = arith.muli %while3A_78, %mul3A_88 : i32
          %get3A_90 = arith.index_cast %mul3A_89 : i32 to index
          %get3A_91 = tpu.vector_load %arg11[%get3A_90] {strides = array<i32>} : memref<4096xf32, #tpu.memory_space<vmem>>, vector<16xf32>,
          %sub3A_92 = arith.subf %get3A_83, %gather3A : vector<16xf32>
          %sub3A_93 = arith.subf %get3A_87, %gather3A_51 : vector<16xf32>
          %sub3A_94 = arith.subf %get3A_91, %gather3A_52 : vector<16xf32>
          %mul3A_95 = arith.mulf %sub3A_92, %sub3A_92 : vector<16xf32>
          %mul3A_96 = arith.mulf %sub3A_93, %sub3A_93 : vector<16xf32>
          %add3A_97 = arith.addf %mul3A_95, %mul3A_96 : vector<16xf32>
          %mul3A_98 = arith.mulf %sub3A_94, %sub3A_94 : vector<16xf32>
          %add3A_99 = arith.addf %add3A_97, %mul3A_98 : vector<16xf32>
          %lt3A_100 = arith.constant 4.000000e-02 : f32
          %lt3A_101 = vector.broadcast %lt3A_100 : f32 to vector<16xf32>
          %lt3A_102 = arith.cmpf olt, %add3A_99, %lt3A_101 : vector<16xf32>
          %mul3A_103 = arith.constant 16 : i32
          %mul3A_104 = arith.muli %while3A_78, %mul3A_103 : i32
          %add3A_105 = vector.broadcast %mul3A_104 : i32 to vector<16xi32>
          %add3A_106 = arith.addi %iota3A, %add3A_105 : vector<16xi32>
          %swap3A_107 = arith.index_cast %while3A_79 : i32 to index
          %swap3A_108 = tpu.vector_load %arg15[%swap3A_107] masked %lt3A_102 {strides = array<i32>} : memref<96xi32, #tpu.memory_space<vmem>>, vector<16xi32>, vector<16xi1>
          tpu.vector_store %arg15[%swap3A_107], %add3A_106 masked %lt3A_102 {strides = array<i32>} : memref<96xi32, #tpu.memory_space<vmem>>, vector<16xi32>, vector<16xi1>
          %all_reduce_population_count3A = tpu.all_reduce %lt3A_102 {dim = 0 : i64, kind = #tpu.reduction_kind<sum>} : vector<16xi1> -> vector<16xi32>
          %slice3A_109 = vector.extract_strided_slice %all_reduce_population_count3A {offsets = [0], sizes = [1], strides = [1]} : vector<16xi32> to vector<1xi32>
          %squeeze3A_110 = vector.extract %slice3A_109[0] : i32 from vector<1xi32>
          %add3A_111 = arith.addi %while3A_79, %squeeze3A_110 : i32
          %add3A_112 = arith.constant 1 : i32
          %add3A_113 = arith.addi %while3A_78, %add3A_112 : i32
          %mul3A_114 = arith.constant 16 : i32
          %mul3A_115 = arith.muli %add3A_113, %mul3A_114 : i32
          %get3A_116 = arith.index_cast %mul3A_115 : i32 to index
          %get3A_117 = tpu.vector_load %arg9[%get3A_116] {strides = array<i32>} : memref<4096xf32, #tpu.memory_space<vmem>>, vector<16xf32>,
          %mul3A_118 = arith.constant 16 : i32
          %mul3A_119 = arith.muli %add3A_113, %mul3A_118 : i32
          %get3A_120 = arith.index_cast %mul3A_119 : i32 to index
          %get3A_121 = tpu.vector_load %arg10[%get3A_120] {strides = array<i32>} : memref<4096xf32, #tpu.memory_space<vmem>>, vector<16xf32>,
          %mul3A_122 = arith.constant 16 : i32
          %mul3A_123 = arith.muli %add3A_113, %mul3A_122 : i32
          %get3A_124 = arith.index_cast %mul3A_123 : i32 to index
          %get3A_125 = tpu.vector_load %arg11[%get3A_124] {strides = array<i32>} : memref<4096xf32, #tpu.memory_space<vmem>>, vector<16xf32>,
          %sub3A_126 = arith.subf %get3A_117, %gather3A : vector<16xf32>
          %sub3A_127 = arith.subf %get3A_121, %gather3A_51 : vector<16xf32>
          %sub3A_128 = arith.subf %get3A_125, %gather3A_52 : vector<16xf32>
          %mul3A_129 = arith.mulf %sub3A_126, %sub3A_126 : vector<16xf32>
          %mul3A_130 = arith.mulf %sub3A_127, %sub3A_127 : vector<16xf32>
          %add3A_131 = arith.addf %mul3A_129, %mul3A_130 : vector<16xf32>
          %mul3A_132 = arith.mulf %sub3A_128, %sub3A_128 : vector<16xf32>
          %add3A_133 = arith.addf %add3A_131, %mul3A_132 : vector<16xf32>
          %lt3A_134 = arith.constant 4.000000e-02 : f32
          %lt3A_135 = vector.broadcast %lt3A_134 : f32 to vector<16xf32>
          %lt3A_136 = arith.cmpf olt, %add3A_133, %lt3A_135 : vector<16xf32>
          %mul3A_137 = arith.constant 16 : i32
          %mul3A_138 = arith.muli %add3A_113, %mul3A_137 : i32
          %add3A_139 = vector.broadcast %mul3A_138 : i32 to vector<16xi32>
          %add3A_140 = arith.addi %iota3A, %add3A_139 : vector<16xi32>
          %swap3A_141 = arith.index_cast %add3A_111 : i32 to index
          %swap3A_142 = tpu.vector_load %arg15[%swap3A_141] masked %lt3A_136 {strides = array<i32>} : memref<96xi32, #tpu.memory_space<vmem>>, vector<16xi32>, vector<16xi1>
          tpu.vector_store %arg15[%swap3A_141], %add3A_140 masked %lt3A_136 {strides = array<i32>} : memref<96xi32, #tpu.memory_space<vmem>>, vector<16xi32>, vector<16xi1>
          %all_reduce_population_count3A_143 = tpu.all_reduce %lt3A_136 {dim = 0 : i64, kind = #tpu.reduction_kind<sum>} : vector<16xi1> -> vector<16xi32>
          %slice3A_144 = vector.extract_strided_slice %all_reduce_population_count3A_143 {offsets = [0], sizes = [1], strides = [1]} : vector<16xi32> to vector<1xi32>
          %squeeze3A_145 = vector.extract %slice3A_144[0] : i32 from vector<1xi32>
          %add3A_146 = arith.addi %add3A_111, %squeeze3A_145 : i32
          %add3A_147 = arith.constant 1 : i32
          %add3A_148 = arith.addi %add3A_113, %add3A_147 : i32
          %mul3A_149 = arith.constant 16 : i32
          %mul3A_150 = arith.muli %add3A_148, %mul3A_149 : i32
          %get3A_151 = arith.index_cast %mul3A_150 : i32 to index
          %get3A_152 = tpu.vector_load %arg9[%get3A_151] {strides = array<i32>} : memref<4096xf32, #tpu.memory_space<vmem>>, vector<16xf32>,
          %mul3A_153 = arith.constant 16 : i32
          %mul3A_154 = arith.muli %add3A_148, %mul3A_153 : i32
          %get3A_155 = arith.index_cast %mul3A_154 : i32 to index
          %get3A_156 = tpu.vector_load %arg10[%get3A_155] {strides = array<i32>} : memref<4096xf32, #tpu.memory_space<vmem>>, vector<16xf32>,
          %mul3A_157 = arith.constant 16 : i32
          %mul3A_158 = arith.muli %add3A_148, %mul3A_157 : i32
          %get3A_159 = arith.index_cast %mul3A_158 : i32 to index
          %get3A_160 = tpu.vector_load %arg11[%get3A_159] {strides = array<i32>} : memref<4096xf32, #tpu.memory_space<vmem>>, vector<16xf32>,
          %sub3A_161 = arith.subf %get3A_152, %gather3A : vector<16xf32>
          %sub3A_162 = arith.subf %get3A_156, %gather3A_51 : vector<16xf32>
          %sub3A_163 = arith.subf %get3A_160, %gather3A_52 : vector<16xf32>
          %mul3A_164 = arith.mulf %sub3A_161, %sub3A_161 : vector<16xf32>
          %mul3A_165 = arith.mulf %sub3A_162, %sub3A_162 : vector<16xf32>
          %add3A_166 = arith.addf %mul3A_164, %mul3A_165 : vector<16xf32>
          %mul3A_167 = arith.mulf %sub3A_163, %sub3A_163 : vector<16xf32>
          %add3A_168 = arith.addf %add3A_166, %mul3A_167 : vector<16xf32>
          %lt3A_169 = arith.constant 4.000000e-02 : f32
          %lt3A_170 = vector.broadcast %lt3A_169 : f32 to vector<16xf32>
          %lt3A_171 = arith.cmpf olt, %add3A_168, %lt3A_170 : vector<16xf32>
          %mul3A_172 = arith.constant 16 : i32
          %mul3A_173 = arith.muli %add3A_148, %mul3A_172 : i32
          %add3A_174 = vector.broadcast %mul3A_173 : i32 to vector<16xi32>
          %add3A_175 = arith.addi %iota3A, %add3A_174 : vector<16xi32>
          %swap3A_176 = arith.index_cast %add3A_146 : i32 to index
          %swap3A_177 = tpu.vector_load %arg15[%swap3A_176] masked %lt3A_171 {strides = array<i32>} : memref<96xi32, #tpu.memory_space<vmem>>, vector<16xi32>, vector<16xi1>
          tpu.vector_store %arg15[%swap3A_176], %add3A_175 masked %lt3A_171 {strides = array<i32>} : memref<96xi32, #tpu.memory_space<vmem>>, vector<16xi32>, vector<16xi1>
          %all_reduce_population_count3A_178 = tpu.all_reduce %lt3A_171 {dim = 0 : i64, kind = #tpu.reduction_kind<sum>} : vector<16xi1> -> vector<16xi32>
          %slice3A_179 = vector.extract_strided_slice %all_reduce_population_count3A_178 {offsets = [0], sizes = [1], strides = [1]} : vector<16xi32> to vector<1xi32>
          %squeeze3A_180 = vector.extract %slice3A_179[0] : i32 from vector<1xi32>
          %add3A_181 = arith.addi %add3A_146, %squeeze3A_180 : i32
          %add3A_182 = arith.constant 1 : i32
          %add3A_183 = arith.addi %add3A_148, %add3A_182 : i32
          %mul3A_184 = arith.constant 16 : i32
          %mul3A_185 = arith.muli %add3A_183, %mul3A_184 : i32
          %get3A_186 = arith.index_cast %mul3A_185 : i32 to index
          %get3A_187 = tpu.vector_load %arg9[%get3A_186] {strides = array<i32>} : memref<4096xf32, #tpu.memory_space<vmem>>, vector<16xf32>,
          %mul3A_188 = arith.constant 16 : i32
          %mul3A_189 = arith.muli %add3A_183, %mul3A_188 : i32
          %get3A_190 = arith.index_cast %mul3A_189 : i32 to index
          %get3A_191 = tpu.vector_load %arg10[%get3A_190] {strides = array<i32>} : memref<4096xf32, #tpu.memory_space<vmem>>, vector<16xf32>,
          %mul3A_192 = arith.constant 16 : i32
          %mul3A_193 = arith.muli %add3A_183, %mul3A_192 : i32
          %get3A_194 = arith.index_cast %mul3A_193 : i32 to index
          %get3A_195 = tpu.vector_load %arg11[%get3A_194] {strides = array<i32>} : memref<4096xf32, #tpu.memory_space<vmem>>, vector<16xf32>,
          %sub3A_196 = arith.subf %get3A_187, %gather3A : vector<16xf32>
          %sub3A_197 = arith.subf %get3A_191, %gather3A_51 : vector<16xf32>
          %sub3A_198 = arith.subf %get3A_195, %gather3A_52 : vector<16xf32>
          %mul3A_199 = arith.mulf %sub3A_196, %sub3A_196 : vector<16xf32>
          %mul3A_200 = arith.mulf %sub3A_197, %sub3A_197 : vector<16xf32>
          %add3A_201 = arith.addf %mul3A_199, %mul3A_200 : vector<16xf32>
          %mul3A_202 = arith.mulf %sub3A_198, %sub3A_198 : vector<16xf32>
          %add3A_203 = arith.addf %add3A_201, %mul3A_202 : vector<16xf32>
          %lt3A_204 = arith.constant 4.000000e-02 : f32
          %lt3A_205 = vector.broadcast %lt3A_204 : f32 to vector<16xf32>
          %lt3A_206 = arith.cmpf olt, %add3A_203, %lt3A_205 : vector<16xf32>
          %mul3A_207 = arith.constant 16 : i32
          %mul3A_208 = arith.muli %add3A_183, %mul3A_207 : i32
          %add3A_209 = vector.broadcast %mul3A_208 : i32 to vector<16xi32>
          %add3A_210 = arith.addi %iota3A, %add3A_209 : vector<16xi32>
          %swap3A_211 = arith.index_cast %add3A_181 : i32 to index
          %swap3A_212 = tpu.vector_load %arg15[%swap3A_211] masked %lt3A_206 {strides = array<i32>} : memref<96xi32, #tpu.memory_space<vmem>>, vector<16xi32>, vector<16xi1>
          tpu.vector_store %arg15[%swap3A_211], %add3A_210 masked %lt3A_206 {strides = array<i32>} : memref<96xi32, #tpu.memory_space<vmem>>, vector<16xi32>, vector<16xi1>
          %all_reduce_population_count3A_213 = tpu.all_reduce %lt3A_206 {dim = 0 : i64, kind = #tpu.reduction_kind<sum>} : vector<16xi1> -> vector<16xi32>
          %slice3A_214 = vector.extract_strided_slice %all_reduce_population_count3A_213 {offsets = [0], sizes = [1], strides = [1]} : vector<16xi32> to vector<1xi32>
          %squeeze3A_215 = vector.extract %slice3A_214[0] : i32 from vector<1xi32>
          %add3A_216 = arith.addi %add3A_181, %squeeze3A_215 : i32
          %add3A_217 = arith.constant 1 : i32
          %add3A_218 = arith.addi %add3A_183, %add3A_217 : i32
          scf.yield %add3A_218, %add3A_216 : i32, i32
        }
        %min3A = arith.constant 32 : i32
        %min3A_55 = arith.minsi %while3A_54#1, %min3A : i32
        %get3A = arith.constant 0 : index
        %get3A_56 = tpu.vector_load %arg15[%get3A] {strides = array<i32>} : memref<96xi32, #tpu.memory_space<vmem>>, vector<16xi32>,
        %get3A_57 = arith.constant 16 : index
        %get3A_58 = tpu.vector_load %arg15[%get3A_57] {strides = array<i32>} : memref<96xi32, #tpu.memory_space<vmem>>, vector<16xi32>,
        %slice3A = vector.extract_strided_slice %get3A_56 {offsets = [0], sizes = [1], strides = [1]} : vector<16xi32> to vector<1xi32>
        %squeeze3A = vector.extract %slice3A[0] : i32 from vector<1xi32>
        %broadcast_in_dim3A_59 = vector.broadcast %squeeze3A : i32 to vector<16xi32>
        %lt3A = vector.broadcast %min3A_55 : i32 to vector<16xi32>
        %lt3A_60 = arith.cmpi slt, %iota3A, %lt3A : vector<16xi32>
        %select_n3A_61 = arith.select %lt3A_60, %get3A_56, %broadcast_in_dim3A_59 : vector<16xi1>, vector<16xi32>
        %add3A_62 = vector.broadcast %mul3A_26 : i32 to vector<16xi32>
        %add3A_63 = arith.addi %select_n3A_61, %add3A_62 : vector<16xi32>
        %swap3A = arith.index_cast %scan3A_46 : i32 to index
        %swap3A_64 = arith.constant 0 : index
        %swap3A_65 = tpu.vector_load %arg16[%swap3A, %swap3A_64] {strides = array<i32>} : memref<8x32xi32, #tpu.memory_space<vmem>>, vector<16xi32>,
        tpu.vector_store %arg16[%swap3A, %swap3A_64], %add3A_63 {strides = array<i32>} : memref<8x32xi32, #tpu.memory_space<vmem>>, vector<16xi32>,
        %add3A_66 = arith.constant 16 : i32
        %add3A_67 = vector.broadcast %add3A_66 : i32 to vector<16xi32>
        %add3A_68 = arith.addi %iota3A, %add3A_67 : vector<16xi32>
        %lt3A_69 = vector.broadcast %min3A_55 : i32 to vector<16xi32>
        %lt3A_70 = arith.cmpi slt, %add3A_68, %lt3A_69 : vector<16xi32>
        %select_n3A_71 = arith.select %lt3A_70, %get3A_58, %broadcast_in_dim3A_59 : vector<16xi1>, vector<16xi32>
        %add3A_72 = vector.broadcast %mul3A_26 : i32 to vector<16xi32>
        %add3A_73 = arith.addi %select_n3A_71, %add3A_72 : vector<16xi32>
        %swap3A_74 = arith.index_cast %scan3A_46 : i32 to index
        %swap3A_75 = arith.constant 16 : index
        %swap3A_76 = tpu.vector_load %arg16[%swap3A_74, %swap3A_75] {strides = array<i32>} : memref<8x32xi32, #tpu.memory_space<vmem>>, vector<16xi32>,
        tpu.vector_store %arg16[%swap3A_74, %swap3A_75], %add3A_73 {strides = array<i32>} : memref<8x32xi32, #tpu.memory_space<vmem>>, vector<16xi32>,
        %scan3A_77 = arith.constant 0 : i32
        scf.yield %scan3A_77 : i32
      }
      %scan3A_41 = arith.constant 8 : i32
      %mul3A_42 = arith.constant 8 : i32
      %mul3A_43 = arith.muli %scan3A_33, %mul3A_42 : i32
      %add3A_44 = arith.addi %mul3A_18, %mul3A_43 : i32
      "tpu.region"() ({
        %run_scoped3A = tpu.sem_alloc : memref<!tpu.dma_semaphore, #tpu.memory_space<semaphore_mem>>
        %dma_start3A = arith.constant 0 : i32
        %dma_start3A_46 = tpu.memref_slice %arg8[%add3A_44, %dma_start3A] : memref<2048x32xi32, #tpu.memory_space<hbm>> -> memref<8x32xi32, #tpu.memory_space<hbm>>
        %dma_start3A_47 = arith.constant 0 : i32
        %dma_start3A_48 = tpu.memref_slice %arg8[%add3A_44, %dma_start3A_47] : memref<2048x32xi32, #tpu.memory_space<hbm>> -> memref<8x32xi32, #tpu.memory_space<hbm>>
        tpu.enqueue_dma source(%arg16 : memref<8x32xi32, #tpu.memory_space<vmem>>) target(%dma_start3A_48 : memref<8x32xi32, #tpu.memory_space<hbm>>) target_semaphore(%run_scoped3A : memref<!tpu.dma_semaphore, #tpu.memory_space<semaphore_mem>>)
        %dma_wait3A = arith.constant 0 : i32
        %dma_wait3A_49 = tpu.memref_slice %arg8[%add3A_44, %dma_wait3A] : memref<2048x32xi32, #tpu.memory_space<hbm>> -> memref<8x32xi32, #tpu.memory_space<hbm>>
        %dma_wait3A_50 = arith.constant 0 : i32
        %dma_wait3A_51 = tpu.memref_slice %arg8[%add3A_44, %dma_wait3A_50] : memref<2048x32xi32, #tpu.memory_space<hbm>> -> memref<8x32xi32, #tpu.memory_space<hbm>>
        tpu.wait_dma2 semaphore(%run_scoped3A : memref<!tpu.dma_semaphore, #tpu.memory_space<semaphore_mem>>) src(%arg16 : memref<8x32xi32, #tpu.memory_space<vmem>>) dst(%dma_wait3A_51 : memref<8x32xi32, #tpu.memory_space<hbm>>)
        tpu.yield
      }) : () -> ()
      %scan3A_45 = arith.constant 0 : i32
      scf.yield %scan3A_45 : i32
    }
    %scan3A_32 = arith.constant 8 : i32
    return
  }
}

module attributes {stable_mosaic.version = 14 : i64} {
  func.func @_fps_body(%arg0: memref<3x32x128xf32, #tpu.memory_space<vmem>>, %arg1: memref<3x32x128xf32, #tpu.memory_space<vmem>>, %arg2: memref<3x4096xf32, #tpu.memory_space<smem>>, %arg3: memref<3x4096xf32, #tpu.memory_space<smem>>, %arg4: memref<2x1024xf32, #tpu.memory_space<smem>>, %arg5: memref<2x1024xf32, #tpu.memory_space<smem>>, %arg6: memref<2x1024xf32, #tpu.memory_space<smem>>) attributes {dimension_semantics = [], scalar_prefetch = 0 : i64, scratch_operands = 0 : i64, tpu.core_type = #tpu.core_type<tc>} {
    %iota3A = tpu.iota {dimensions = array<i32: 0>} : vector<32x128xi32>
    %iota3A_0 = tpu.iota {dimensions = array<i32: 1>} : vector<32x128xi32>
    %mul3A = arith.constant 128 : i32
    %mul3A_1 = vector.broadcast %mul3A : i32 to vector<32x128xi32>
    %mul3A_2 = arith.muli %iota3A, %mul3A_1 : vector<32x128xi32>
    %add3A = arith.addi %mul3A_2, %iota3A_0 : vector<32x128xi32>
    %convert_element_type3A = arith.sitofp %add3A : vector<32x128xi32> to vector<32x128xf32>
    %broadcast_in_dim3A = arith.constant 1.000000e+10 : f32
    %broadcast_in_dim3A_3 = vector.broadcast %broadcast_in_dim3A : f32 to vector<32x128xf32>
    %get3A = arith.constant 0 : index
    %get3A_4 = arith.constant 0 : index
    %get3A_5 = memref.load %arg2[%get3A, %get3A_4] : memref<3x4096xf32, #tpu.memory_space<smem>>
    %get3A_6 = arith.constant 1 : index
    %get3A_7 = arith.constant 0 : index
    %get3A_8 = memref.load %arg2[%get3A_6, %get3A_7] : memref<3x4096xf32, #tpu.memory_space<smem>>
    %get3A_9 = arith.constant 2 : index
    %get3A_10 = arith.constant 0 : index
    %get3A_11 = memref.load %arg2[%get3A_9, %get3A_10] : memref<3x4096xf32, #tpu.memory_space<smem>>
    %get3A_12 = arith.constant 0 : index
    %get3A_13 = arith.constant 0 : index
    %get3A_14 = memref.load %arg3[%get3A_12, %get3A_13] : memref<3x4096xf32, #tpu.memory_space<smem>>
    %get3A_15 = arith.constant 1 : index
    %get3A_16 = arith.constant 0 : index
    %get3A_17 = memref.load %arg3[%get3A_15, %get3A_16] : memref<3x4096xf32, #tpu.memory_space<smem>>
    %get3A_18 = arith.constant 2 : index
    %get3A_19 = arith.constant 0 : index
    %get3A_20 = memref.load %arg3[%get3A_18, %get3A_19] : memref<3x4096xf32, #tpu.memory_space<smem>>
    %scan3A = arith.constant 0 : i32
    %scan3A_21 = arith.constant 1024 : i32
    %scan3A_22 = arith.addi %scan3A, %scan3A_21 : i32
    %scan3A_23 = arith.constant 1 : i32
    %scan3A_24:8 = scf.for %scan3A_26 = %scan3A to %scan3A_22 step %scan3A_23 iter_args(%scan3A_27 = %broadcast_in_dim3A_3, %scan3A_28 = %broadcast_in_dim3A_3, %scan3A_29 = %get3A_5, %scan3A_30 = %get3A_8, %scan3A_31 = %get3A_11, %scan3A_32 = %get3A_14, %scan3A_33 = %get3A_17, %scan3A_34 = %get3A_20) -> (vector<32x128xf32>, vector<32x128xf32>, f32, f32, f32, f32, f32, f32)  : i32 {
      %swap3A = arith.constant 0 : index
      %swap3A_35 = arith.index_cast %scan3A_26 : i32 to index
      %swap3A_36 = memref.load %arg4[%swap3A, %swap3A_35] : memref<2x1024xf32, #tpu.memory_space<smem>>
      memref.store %scan3A_29, %arg4[%swap3A, %swap3A_35] : memref<2x1024xf32, #tpu.memory_space<smem>>
      %swap3A_37 = arith.constant 0 : index
      %swap3A_38 = arith.index_cast %scan3A_26 : i32 to index
      %swap3A_39 = memref.load %arg5[%swap3A_37, %swap3A_38] : memref<2x1024xf32, #tpu.memory_space<smem>>
      memref.store %scan3A_30, %arg5[%swap3A_37, %swap3A_38] : memref<2x1024xf32, #tpu.memory_space<smem>>
      %swap3A_40 = arith.constant 0 : index
      %swap3A_41 = arith.index_cast %scan3A_26 : i32 to index
      %swap3A_42 = memref.load %arg6[%swap3A_40, %swap3A_41] : memref<2x1024xf32, #tpu.memory_space<smem>>
      memref.store %scan3A_31, %arg6[%swap3A_40, %swap3A_41] : memref<2x1024xf32, #tpu.memory_space<smem>>
      %swap3A_43 = arith.constant 1 : index
      %swap3A_44 = arith.index_cast %scan3A_26 : i32 to index
      %swap3A_45 = memref.load %arg4[%swap3A_43, %swap3A_44] : memref<2x1024xf32, #tpu.memory_space<smem>>
      memref.store %scan3A_32, %arg4[%swap3A_43, %swap3A_44] : memref<2x1024xf32, #tpu.memory_space<smem>>
      %swap3A_46 = arith.constant 1 : index
      %swap3A_47 = arith.index_cast %scan3A_26 : i32 to index
      %swap3A_48 = memref.load %arg5[%swap3A_46, %swap3A_47] : memref<2x1024xf32, #tpu.memory_space<smem>>
      memref.store %scan3A_33, %arg5[%swap3A_46, %swap3A_47] : memref<2x1024xf32, #tpu.memory_space<smem>>
      %swap3A_49 = arith.constant 1 : index
      %swap3A_50 = arith.index_cast %scan3A_26 : i32 to index
      %swap3A_51 = memref.load %arg6[%swap3A_49, %swap3A_50] : memref<2x1024xf32, #tpu.memory_space<smem>>
      memref.store %scan3A_34, %arg6[%swap3A_49, %swap3A_50] : memref<2x1024xf32, #tpu.memory_space<smem>>
      %get3A_52 = arith.constant 0 : index
      %get3A_53 = arith.constant 0 : index
      %get3A_54 = arith.constant 0 : index
      %get3A_55 = vector.load %arg0[%get3A_52, %get3A_53, %get3A_54] : memref<3x32x128xf32, #tpu.memory_space<vmem>>, vector<3x32x128xf32>
      %slice3A = vector.extract_strided_slice %get3A_55 {offsets = [0, 0, 0], sizes = [1, 32, 128], strides = [1, 1, 1]} : vector<3x32x128xf32> to vector<1x32x128xf32>
      %squeeze3A = vector.shape_cast %slice3A : vector<1x32x128xf32> to vector<32x128xf32>
      %sub3A = vector.broadcast %scan3A_29 : f32 to vector<32x128xf32>
      %sub3A_56 = arith.subf %squeeze3A, %sub3A : vector<32x128xf32>
      %slice3A_57 = vector.extract_strided_slice %get3A_55 {offsets = [1, 0, 0], sizes = [1, 32, 128], strides = [1, 1, 1]} : vector<3x32x128xf32> to vector<1x32x128xf32>
      %squeeze3A_58 = vector.shape_cast %slice3A_57 : vector<1x32x128xf32> to vector<32x128xf32>
      %sub3A_59 = vector.broadcast %scan3A_30 : f32 to vector<32x128xf32>
      %sub3A_60 = arith.subf %squeeze3A_58, %sub3A_59 : vector<32x128xf32>
      %slice3A_61 = vector.extract_strided_slice %get3A_55 {offsets = [2, 0, 0], sizes = [1, 32, 128], strides = [1, 1, 1]} : vector<3x32x128xf32> to vector<1x32x128xf32>
      %squeeze3A_62 = vector.shape_cast %slice3A_61 : vector<1x32x128xf32> to vector<32x128xf32>
      %sub3A_63 = vector.broadcast %scan3A_31 : f32 to vector<32x128xf32>
      %sub3A_64 = arith.subf %squeeze3A_62, %sub3A_63 : vector<32x128xf32>
      %mul3A_65 = arith.mulf %sub3A_56, %sub3A_56 : vector<32x128xf32>
      %mul3A_66 = arith.mulf %sub3A_60, %sub3A_60 : vector<32x128xf32>
      %add3A_67 = arith.addf %mul3A_65, %mul3A_66 : vector<32x128xf32>
      %mul3A_68 = arith.mulf %sub3A_64, %sub3A_64 : vector<32x128xf32>
      %add3A_69 = arith.addf %add3A_67, %mul3A_68 : vector<32x128xf32>
      %min3A = arith.minimumf %scan3A_27, %add3A_69 : vector<32x128xf32>
      %get3A_70 = arith.constant 0 : index
      %get3A_71 = arith.constant 0 : index
      %get3A_72 = arith.constant 0 : index
      %get3A_73 = vector.load %arg1[%get3A_70, %get3A_71, %get3A_72] : memref<3x32x128xf32, #tpu.memory_space<vmem>>, vector<3x32x128xf32>
      %slice3A_74 = vector.extract_strided_slice %get3A_73 {offsets = [0, 0, 0], sizes = [1, 32, 128], strides = [1, 1, 1]} : vector<3x32x128xf32> to vector<1x32x128xf32>
      %squeeze3A_75 = vector.shape_cast %slice3A_74 : vector<1x32x128xf32> to vector<32x128xf32>
      %sub3A_76 = vector.broadcast %scan3A_32 : f32 to vector<32x128xf32>
      %sub3A_77 = arith.subf %squeeze3A_75, %sub3A_76 : vector<32x128xf32>
      %slice3A_78 = vector.extract_strided_slice %get3A_73 {offsets = [1, 0, 0], sizes = [1, 32, 128], strides = [1, 1, 1]} : vector<3x32x128xf32> to vector<1x32x128xf32>
      %squeeze3A_79 = vector.shape_cast %slice3A_78 : vector<1x32x128xf32> to vector<32x128xf32>
      %sub3A_80 = vector.broadcast %scan3A_33 : f32 to vector<32x128xf32>
      %sub3A_81 = arith.subf %squeeze3A_79, %sub3A_80 : vector<32x128xf32>
      %slice3A_82 = vector.extract_strided_slice %get3A_73 {offsets = [2, 0, 0], sizes = [1, 32, 128], strides = [1, 1, 1]} : vector<3x32x128xf32> to vector<1x32x128xf32>
      %squeeze3A_83 = vector.shape_cast %slice3A_82 : vector<1x32x128xf32> to vector<32x128xf32>
      %sub3A_84 = vector.broadcast %scan3A_34 : f32 to vector<32x128xf32>
      %sub3A_85 = arith.subf %squeeze3A_83, %sub3A_84 : vector<32x128xf32>
      %mul3A_86 = arith.mulf %sub3A_77, %sub3A_77 : vector<32x128xf32>
      %mul3A_87 = arith.mulf %sub3A_81, %sub3A_81 : vector<32x128xf32>
      %add3A_88 = arith.addf %mul3A_86, %mul3A_87 : vector<32x128xf32>
      %mul3A_89 = arith.mulf %sub3A_85, %sub3A_85 : vector<32x128xf32>
      %add3A_90 = arith.addf %add3A_88, %mul3A_89 : vector<32x128xf32>
      %min3A_91 = arith.minimumf %scan3A_28, %add3A_90 : vector<32x128xf32>
      %reduce_max3A = vector.shape_cast %min3A : vector<32x128xf32> to vector<1x32x128xf32>
      %reduce_max3A_92 = arith.constant dense<0xFF800000> : vector<1xf32>
      %reduce_max3A_93 = vector.multi_reduction <maximumf>, %reduce_max3A, %reduce_max3A_92 [1, 2] : vector<1x32x128xf32> to vector<1xf32>
      %reduce_max3A_94 = vector.shape_cast %reduce_max3A_93 : vector<1xf32> to vector<1x1x1xf32>
      %reduce_max3A_95 = vector.extract %reduce_max3A_94[0, 0, 0] : f32 from vector<1x1x1xf32>
      %broadcast_in_dim3A_96 = vector.broadcast %reduce_max3A_95 : f32 to vector<1x1xf32>
      %reduce_max3A_97 = vector.shape_cast %min3A_91 : vector<32x128xf32> to vector<1x32x128xf32>
      %reduce_max3A_98 = arith.constant dense<0xFF800000> : vector<1xf32>
      %reduce_max3A_99 = vector.multi_reduction <maximumf>, %reduce_max3A_97, %reduce_max3A_98 [1, 2] : vector<1x32x128xf32> to vector<1xf32>
      %reduce_max3A_100 = vector.shape_cast %reduce_max3A_99 : vector<1xf32> to vector<1x1x1xf32>
      %reduce_max3A_101 = vector.extract %reduce_max3A_100[0, 0, 0] : f32 from vector<1x1x1xf32>
      %broadcast_in_dim3A_102 = vector.broadcast %reduce_max3A_101 : f32 to vector<1x1xf32>
      %eq3A = vector.broadcast %broadcast_in_dim3A_96 : vector<1x1xf32> to vector<32x128xf32>
      %eq3A_103 = arith.cmpf oeq, %min3A, %eq3A : vector<32x128xf32>
      %jit3A = arith.constant 4.096000e+03 : f32
      %broadcast_in_dim3A_104 = vector.broadcast %jit3A : f32 to vector<32x128xf32>
      %select_n3A = arith.select %eq3A_103, %convert_element_type3A, %broadcast_in_dim3A_104 : vector<32x128xi1>, vector<32x128xf32>
      %reduce_min3A = vector.shape_cast %select_n3A : vector<32x128xf32> to vector<1x32x128xf32>
      %reduce_min3A_105 = arith.constant dense<0x7F800000> : vector<1xf32>
      %reduce_min3A_106 = vector.multi_reduction <minimumf>, %reduce_min3A, %reduce_min3A_105 [1, 2] : vector<1x32x128xf32> to vector<1xf32>
      %reduce_min3A_107 = vector.shape_cast %reduce_min3A_106 : vector<1xf32> to vector<1x1x1xf32>
      %reduce_min3A_108 = vector.extract %reduce_min3A_107[0, 0, 0] : f32 from vector<1x1x1xf32>
      %eq3A_109 = vector.broadcast %broadcast_in_dim3A_102 : vector<1x1xf32> to vector<32x128xf32>
      %eq3A_110 = arith.cmpf oeq, %min3A_91, %eq3A_109 : vector<32x128xf32>
      %jit3A_111 = arith.constant 4.096000e+03 : f32
      %broadcast_in_dim3A_112 = vector.broadcast %jit3A_111 : f32 to vector<32x128xf32>
      %select_n3A_113 = arith.select %eq3A_110, %convert_element_type3A, %broadcast_in_dim3A_112 : vector<32x128xi1>, vector<32x128xf32>
      %reduce_min3A_114 = vector.shape_cast %select_n3A_113 : vector<32x128xf32> to vector<1x32x128xf32>
      %reduce_min3A_115 = arith.constant dense<0x7F800000> : vector<1xf32>
      %reduce_min3A_116 = vector.multi_reduction <minimumf>, %reduce_min3A_114, %reduce_min3A_115 [1, 2] : vector<1x32x128xf32> to vector<1xf32>
      %reduce_min3A_117 = vector.shape_cast %reduce_min3A_116 : vector<1xf32> to vector<1x1x1xf32>
      %reduce_min3A_118 = vector.extract %reduce_min3A_117[0, 0, 0] : f32 from vector<1x1x1xf32>
      %convert_element_type3A_119 = arith.fptosi %reduce_min3A_108 : f32 to i32
      %get3A_120 = arith.constant 0 : index
      %get3A_121 = arith.index_cast %convert_element_type3A_119 : i32 to index
      %get3A_122 = memref.load %arg2[%get3A_120, %get3A_121] : memref<3x4096xf32, #tpu.memory_space<smem>>
      %get3A_123 = arith.constant 1 : index
      %get3A_124 = arith.index_cast %convert_element_type3A_119 : i32 to index
      %get3A_125 = memref.load %arg2[%get3A_123, %get3A_124] : memref<3x4096xf32, #tpu.memory_space<smem>>
      %get3A_126 = arith.constant 2 : index
      %get3A_127 = arith.index_cast %convert_element_type3A_119 : i32 to index
      %get3A_128 = memref.load %arg2[%get3A_126, %get3A_127] : memref<3x4096xf32, #tpu.memory_space<smem>>
      %convert_element_type3A_129 = arith.fptosi %reduce_min3A_118 : f32 to i32
      %get3A_130 = arith.constant 0 : index
      %get3A_131 = arith.index_cast %convert_element_type3A_129 : i32 to index
      %get3A_132 = memref.load %arg3[%get3A_130, %get3A_131] : memref<3x4096xf32, #tpu.memory_space<smem>>
      %get3A_133 = arith.constant 1 : index
      %get3A_134 = arith.index_cast %convert_element_type3A_129 : i32 to index
      %get3A_135 = memref.load %arg3[%get3A_133, %get3A_134] : memref<3x4096xf32, #tpu.memory_space<smem>>
      %get3A_136 = arith.constant 2 : index
      %get3A_137 = arith.index_cast %convert_element_type3A_129 : i32 to index
      %get3A_138 = memref.load %arg3[%get3A_136, %get3A_137] : memref<3x4096xf32, #tpu.memory_space<smem>>
      scf.yield %min3A, %min3A_91, %get3A_122, %get3A_125, %get3A_128, %get3A_132, %get3A_135, %get3A_138 : vector<32x128xf32>, vector<32x128xf32>, f32, f32, f32, f32, f32, f32
    }
    %scan3A_25 = arith.constant 1024 : i32
    return
  }
}

module attributes {stable_mosaic.version = 14 : i64} {
  func.func @_mm_body(%arg0: i32, %arg1: memref<256x4096xf32, #tpu.memory_space<vmem>>, %arg2: memref<4096x64xf32, #tpu.memory_space<vmem>>, %arg3: memref<256x128xf32, #tpu.memory_space<vmem>>, %arg4: memref<128x64xf32, #tpu.memory_space<vmem>>, %arg5: memref<256x64xf32, #tpu.memory_space<vmem>>) attributes {dimension_semantics = [#tpu.dimension_semantics<arbitrary>], iteration_bounds = array<i64: 8>, scalar_prefetch = 0 : i64, scratch_operands = 0 : i64, tpu.core_type = #tpu.core_type<tc>, window_params = [{transform_indices = @transform_0, window_bounds = array<i64: 256, 4096>}, {pipeline_mode = #tpu.pipeline_mode<synchronous>, transform_indices = @transform_1, window_bounds = array<i64: 4096, 64>}, {transform_indices = @transform_2, window_bounds = array<i64: 256, 128>}, {pipeline_mode = #tpu.pipeline_mode<synchronous>, transform_indices = @transform_3, window_bounds = array<i64: 128, 64>}, {transform_indices = @transform_4, window_bounds = array<i64: 256, 64>}]} {
    %get3A = arith.constant 0 : index
    %get3A_0 = arith.constant 0 : index
    %get3A_1 = vector.load %arg1[%get3A, %get3A_0] : memref<256x4096xf32, #tpu.memory_space<vmem>>, vector<256x4096xf32>
    %get3A_2 = arith.constant 0 : index
    %get3A_3 = arith.constant 0 : index
    %get3A_4 = vector.load %arg2[%get3A_2, %get3A_3] : memref<4096x64xf32, #tpu.memory_space<vmem>>, vector<4096x64xf32>
    %dot_general3A = arith.constant dense<0.000000e+00> : vector<256x64xf32>
    %dot_general3A_5 = tpu.matmul %get3A_1, %get3A_4, %dot_general3A {dimension_numbers = #tpu.dot_dimension_numbers<[1], [0], [0], [1], [0, 0, 1, 1], [], []>, transpose_lhs_hint = false} : vector<256x4096xf32>, vector<4096x64xf32>, vector<256x64xf32> -> vector<256x64xf32>
    %get3A_6 = arith.constant 0 : index
    %get3A_7 = arith.constant 0 : index
    %get3A_8 = vector.load %arg3[%get3A_6, %get3A_7] : memref<256x128xf32, #tpu.memory_space<vmem>>, vector<256x128xf32>
    %get3A_9 = arith.constant 0 : index
    %get3A_10 = arith.constant 0 : index
    %get3A_11 = vector.load %arg4[%get3A_9, %get3A_10] : memref<128x64xf32, #tpu.memory_space<vmem>>, vector<128x64xf32>
    %dot_general3A_12 = arith.constant dense<0.000000e+00> : vector<256x64xf32>
    %dot_general3A_13 = tpu.matmul %get3A_8, %get3A_11, %dot_general3A_12 {dimension_numbers = #tpu.dot_dimension_numbers<[1], [0], [0], [1], [0, 0, 1, 1], [], []>, transpose_lhs_hint = false} : vector<256x128xf32>, vector<128x64xf32>, vector<256x64xf32> -> vector<256x64xf32>
    %sub3A = arith.subf %dot_general3A_5, %dot_general3A_13 : vector<256x64xf32>
    %swap3A = arith.constant 0 : index
    %swap3A_14 = arith.constant 0 : index
    %swap3A_15 = vector.load %arg5[%swap3A, %swap3A_14] : memref<256x64xf32, #tpu.memory_space<vmem>>, vector<256x64xf32>
    tpu.vector_store %arg5[%swap3A, %swap3A_14], %sub3A {strides = array<i32>} : memref<256x64xf32, #tpu.memory_space<vmem>>, vector<256x64xf32>,
    return
  }
  func.func @transform_0(%arg0: i32) -> (i32, i32) {
    %c0_i32 = arith.constant 0 : i32
    %c0_i32_0 = arith.constant 0 : i32
    return %arg0, %c0_i32 : i32, i32
  }
  func.func @transform_1(%arg0: i32) -> (i32, i32) {
    %c0_i32 = arith.constant 0 : i32
    %c0_i32_0 = arith.constant 0 : i32
    %c0_i32_1 = arith.constant 0 : i32
    return %c0_i32, %c0_i32_0 : i32, i32
  }
  func.func @transform_2(%arg0: i32) -> (i32, i32) {
    %c0_i32 = arith.constant 0 : i32
    %c0_i32_0 = arith.constant 0 : i32
    return %arg0, %c0_i32 : i32, i32
  }
  func.func @transform_3(%arg0: i32) -> (i32, i32) {
    %c0_i32 = arith.constant 0 : i32
    %c0_i32_0 = arith.constant 0 : i32
    %c0_i32_1 = arith.constant 0 : i32
    return %c0_i32, %c0_i32_0 : i32, i32
  }
  func.func @transform_4(%arg0: i32) -> (i32, i32) {
    %c0_i32 = arith.constant 0 : i32
    %c0_i32_0 = arith.constant 0 : i32
    return %arg0, %c0_i32 : i32, i32
  }
}

</mosaic_0001>

<sc_bundles>
// kernel: kernel.6.cloned.1.call-start
scs
__scs_entry_jumppad:
0x0: {  	(pc) =	sbr.rel $0x88, $3  }
0x1: {  	(tag) =	ssettag $0x0;
	lr =	simm.s32 $0x1  }
0x2: {  	[smem:$0x3F9E] =	sst lr;
	_ =	strace $0xD0000000  }
0x3: {  	_ = 	snop  }
0x4: {  	_ = 	snop  }
0x5: {  	_ = 	snop  }
0x6: {  	_ = 	snop  }
0x7: {  	_ = 	snop  }
__scs_overlays_trampoline_lowered:
0x8: {  	[smem:$0x3FAD] =	sst s0  }
0x9: {  	[smem:$0x3FAE] =	sst s1  }
0xa: {  	[smem:$0x3FAF] =	sst s2  }
0xb: {  	[smem:$0x3FB0] =	sst s3  }
0xc: {  	[smem:$0x3FB1] =	sst s4  }
0xd: {  	[smem:$0x3FB2] =	sst s5  }
0xe: {  	[smem:$0x3FB3] =	sst s6  }
0xf: {  	[smem:$0x3FB4] =	sst s7  }
0x10: {  	[smem:$0x3FB5] =	sst s8  }
0x11: {  	[smem:$0x3FB6] =	sst s9;
	s0 =	simm.s32 @!p0 $0x0  }
0x12: {  	s1 =	sld [smem:$0x3F9C];
	s0 =	simm.s32 @p0 $0x1  }
0x13: {  	[smem:$0x3FB7] =	sst s0;
	s0 =	simm.s32 @!p1 $0x0  }
0x14: {  	s2 =	sld [smem:$0x3F9B];
	s0 =	simm.s32 @p1 $0x1  }
0x15: {  	[smem:$0x3FB8] =	sst s0;
	s0 =	simm.s32 @!p2 $0x0  }
0x16: {  	s3 =	sld [smem:$0x3FDB];
	s0 =	simm.s32 @p2 $0x1  }
0x17: {  	s4 =	simm.s32 $0x1BF5;
	[smem:$0x3FBA] =	sst s0  }
0x18: {  	s0 =	sld [smem:$0x3F9D];
	_ =	swait.ge [sflag:s4], $0x0  }
0x19: {  	s7 =	sld [smem:$0x3F9E]  }
0x1a: {  	s8 =	sadd.s32 $0xFFFFE003, lr  }
0x1b: {  	s9 =	sadd.s32 $0xFFFFFEF7, lr;
	s5 =	simm.s32 $0xFFFFFFFF;
	p2 =	slt.u32 s8, $0xFFFFF086  }
0x1c: {  	p1 =	slt.u32 s9, $0xF7A;
	s5 =	simm.s32 @!p2 $0x0  }
0x1d: {  	s5 =	simm.s32 @p1 $0x1;
	p0 =	seq.s32 s7, s2  }
0x1e: {  	s7 =	smul.u32 @!p0 $0xF7A, s2;
	p2 =	seq.s32 @!p0 s5, $0x0  }
0x1f: {  	s9 =	smul.u32 $0xF7A, s1;
	s8 =	simm.s32 @!p0 $0x1BF5;
	p2 =	por !p2, p0  }
0x20: {  	[sflag:s8] =	ssyncset.s32 @!p0 $0xFFFFF086;
	s6 =	sadd.s32 @!p0 s3, s7;
	s7 =	simm.s32 @!p0 $0x108  }
0x21: {  	s3 =	sadd.s32 s3, s9;
	s6 =	sadd.s32 @!p0 $0x88, s6;
	s7 =	simm.s32 @p2 $0x1082  }
0x22: {  	[simem:s7], [sflag:s8] =	dma.local @!p0 [hbm:s6], $0xF7A  }
0x23: {  	s9 =	sor.u32 $0xD0000000, s2;
	s6 =	simm.s32 $0x108;
	_ =	swait.ge @!p0 [sflag:s8], $0x0  }
0x24: {  	s3 =	sadd.s32 $0x88, s3;
	s6 =	simm.s32 @!p1 $0x1082;
	[sflag:s4] =	ssyncset.s32 $0xFFFFF086  }
0x25: {  	[simem:s6], [sflag:s4] =	dma.local [hbm:s3], $0xF7A  }
0x26: {  	[smem:$0x3F9E] =	sst s1;
	(tag) =	ssettag s2;
	_ =	strace s9  }
0x27: {  	s1 =	sld [smem:$0x3FAE]  }
0x28: {  	s2 =	sld [smem:$0x3FAF]  }
0x29: {  	s4 =	sld [smem:$0x3FB1]  }
0x2a: {  	p0 =	seq.s32 s5, $0x0;
	s5 =	sld [smem:$0x3FB2]  }
0x2b: {  	s6 =	sld [smem:$0x3FB3]  }
0x2c: {  	s7 =	sld [smem:$0x3FB4]  }
0x2d: {  	s3 =	simm.s32 $0x108;
	s8 =	sld [smem:$0x3FB5]  }
0x2e: {  	s3 =	simm.s32 @!p0 $0x1082;
	s9 =	sld [smem:$0x3FB6]  }
0x2f: {  	lr =	sadd.s32 s0, s3;
	s0 =	sld [smem:$0x3FAD]  }
0x30: {  	s3 =	sld [smem:$0x3FB0]  }
0x31: {  	[smem:$0x3FB9] =	sst s10  }
0x32: {  	s10 =	sld [smem:$0x3FB7];
	_ =	sdelay $0x3  }
0x33: {  	p0 =	seq.s32 s10, $0x1;
	s10 =	sld [smem:$0x3FB9];
	_ =	sdelay $0x3  }
0x34: {  	[smem:$0x3FB9] =	sst s10  }
0x35: {  	s10 =	sld [smem:$0x3FB8];
	_ =	sdelay $0x3  }
0x36: {  	p1 =	seq.s32 s10, $0x1;
	s10 =	sld [smem:$0x3FB9];
	_ =	sdelay $0x3  }
0x37: {  	[smem:$0x3FB9] =	sst s10  }
0x38: {  	s10 =	sld [smem:$0x3FBA]  }
0x39: {  	_ = 	snop;
	(pc) =	sbr.ind lr, $3  }
0x3a: {  	_ = 	snop  }
0x3b: {  	_ = 	snop  }
0x3c: {  	p2 =	seq.s32 s10, $0x1;
	s10 =	sld [smem:$0x3FB9]  }
0x3d: {  	_ =	shalt  }
0x3e: {  	_ =	shalt  }
0x3f: {  	_ =	shalt  }
0x40: {  	_ =	shalt  }
0x41: {  	_ =	shalt  }
0x42: {  	_ =	shalt  }
0x43: {  	_ =	shalt  }
0x44: {  	_ =	shalt  }
0x45: {  	_ =	shalt  }
0x46: {  	_ =	shalt  }
0x47: {  	_ =	shalt  }
0x48: {  	_ =	shalt  }
0x49: {  	_ =	shalt  }
0x4a: {  	_ =	shalt  }
0x4b: {  	_ =	shalt  }
0x4c: {  	_ =	shalt  }
0x4d: {  	_ =	shalt  }
0x4e: {  	_ =	shalt  }
0x4f: {  	_ =	shalt  }
0x50: {  	_ =	shalt  }
0x51: {  	_ =	shalt  }
0x52: {  	_ =	shalt  }
0x53: {  	_ =	shalt  }
0x54: {  	_ =	shalt  }
0x55: {  	_ =	shalt  }
0x56: {  	_ =	shalt  }
0x57: {  	_ =	shalt  }
0x58: {  	_ =	shalt  }
0x59: {  	_ =	shalt  }
0x5a: {  	_ =	shalt  }
0x5b: {  	_ =	shalt  }
0x5c: {  	_ =	shalt  }
0x5d: {  	_ =	shalt  }
0x5e: {  	_ =	shalt  }
0x5f: {  	_ =	shalt  }
0x60: {  	_ =	shalt  }
0x61: {  	_ =	shalt  }
0x62: {  	_ =	shalt  }
0x63: {  	_ =	shalt  }
0x64: {  	_ =	shalt  }
0x65: {  	_ =	shalt  }
0x66: {  	_ =	shalt  }
0x67: {  	_ =	shalt  }
0x68: {  	_ =	shalt  }
0x69: {  	_ =	shalt  }
0x6a: {  	_ =	shalt  }
0x6b: {  	_ =	shalt  }
0x6c: {  	_ =	shalt  }
0x6d: {  	_ =	shalt  }
0x6e: {  	_ =	shalt  }
0x6f: {  	_ =	shalt  }
0x70: {  	_ =	shalt  }
0x71: {  	_ =	shalt  }
0x72: {  	_ =	shalt  }
0x73: {  	_ =	shalt  }
0x74: {  	_ =	shalt  }
0x75: {  	_ =	shalt  }
0x76: {  	_ =	shalt  }
0x77: {  	_ =	shalt  }
0x78: {  	_ =	shalt  }
0x79: {  	_ =	shalt  }
0x7a: {  	_ =	shalt  }
0x7b: {  	_ =	shalt  }
0x7c: {  	_ =	shalt  }
0x7d: {  	_ =	shalt  }
0x7e: {  	_ =	shalt  }
0x7f: {  	_ =	shalt  }
0x80: {  	_ =	shalt  }
0x81: {  	_ =	shalt  }
0x82: {  	_ =	shalt  }
0x83: {  	_ =	shalt  }
0x84: {  	_ =	shalt  }
0x85: {  	_ =	shalt  }
0x86: {  	_ =	shalt  }
0x87: {  	_ =	shalt  }
.Lfunc_end0:
.L_simem_size_0:
called_computation_lowered:
.L_overlay_start_0:
0x88: {  	s2 =	sld [smem:$0x3FD9]  }
0x89: {  	s3 =	sld [smem:$0x3FFE];
	_ =	sdelay $0x1  }
0x8a: {  	s1 =	srdreg.scid  }
0x8b: {  	s0 =	sand.u32 $0x1, s1  }
0x8c: {  	s14 =	sshll.u32 s0, $0xA;
	s2 =	sadd.s32 s3, s2  }
0x8d: {  	s2 =	sadd.s32 s2, s14  }
0x8e: {  	[smem:$0x3FC5] =	sst s2  }
0x8f: {  	_ = 	snop  }
0x90: {  	s2 =	sld [smem:$0x3FD0];
	_ =	sdelay $0x2  }
0x91: {  	s15 =	simm.s32 $0xA;
	s4 =	simm.s32 $0x10  }
0x92: {  	[smem:s4], [sflag:s15] =	dma.local [hbm:s2], $0x1  }
0x93: {  	_ =	swait.eq [sflag:s15], $0x1  }
0x94: {  	[sflag:s15] =	ssyncset.done $0x0  }
0x95: {  	s16 =	sld [smem:$0x10];
	[sflag:s15] =	ssyncadd.s32 $0xFFFFFFFF  }
0x96: {  	s17 =	sld [smem:$0x11];
	(tm) =	ssettm $0x1  }
0x97: {  	s18 =	sld [smem:$0x3FFB];
	_ =	sdelay $0x3  }
0x98: {  	_ =	strace s18  }
0x99: {  	s4 =	sld [smem:$0x3FFC];
	_ =	sdelay $0x3  }
0x9a: {  	_ =	strace s4  }
0x9b: {  	s4 =	sld [smem:$0x3FFD];
	_ =	sdelay $0x3  }
0x9c: {  	_ =	strace s4  }
0x9d: {  	_ =	strace $0x8FFFFFFF  }
0x9e: {  	s19 =	sld [smem:$0x3FDB];
	_ =	sdelay $0x1  }
0x9f: {  	s5 =	simm.s32 $_scs_section_size  }
0xa0: {  	s6 =	simm.s32 $_size__tile_overlayer_lowered;
	s7 =	simm.s32 $_tile_overlayer_lowered  }
0xa1: {  	s22 =	simm.s32 $0x1BFF;
	s21 =	sshll.u32 s7, $0x1;
	s4 =	sadd.s32 s5, s19  }
0xa2: {  	s8 =	simm.s32 $0x0;
	s20 =	sshll.u32 s6, $0x1;
	s6 =	sadd.s32 s21, s4  }
0xa3: {  	[timem:s8], [sflag:s22] =	dma.local [hbm:s6], s20  }
0xa4: {  	_ =	swait.ge [sflag:s22], s20  }
0xa5: {  	s5 =	ssub.s32 $0x0, s20;
	[sflag:s22] =	ssyncset.done $0x0  }
0xa6: {  	[sflag:s22] =	ssyncadd.s32 s5;
	_ =	sdelay $0x1  }
0xa7: {  	s23 =	simm.s32 $0x1B8B  }
0xa8: {  	_ =	swait.ge [sflag:s23], $0x1  }
0xa9: {  	[sflag:s23] =	ssyncset.done $0x0  }
0xaa: {  	s25 =	simm.s32 $0x1B8E;
	s24 =	sld [smem:$0x3FFE];
	[sflag:s23] =	ssyncadd.s32 $0xFFFFFFFF  }
0xab: {  	s26 =	simm.s32 $execute0_lowered;
	[smem:$0x3FD2] =	sst s25  }
0xac: {  	s6 =	sshll.u32 s26, $0x1;
	_ =	strace $0x80000046;
	[dreg:$0x1] =	wrdreg $0xFFFFFFFF  }
0xad: {  	s28 =	simm.s32 $_size_execute0_lowered;
	s4 =	sadd.s32 s4, s6;
	[dreg:$0x0] =	wrdreg $0x0  }
0xae: {  	s6 =	sshll.u32 s28, $0x1;
	[dreg:$0x2] =	wrdreg s4  }
0xaf: {  	[dreg:$0x3] =	wrdreg s6  }
0xb0: {  	[dreg:$0x4] =	wrdreg $0xC0  }
0xb1: {  	_ =	task [dreg:s8], $0x5FFFF  }
0xb2: {  	[dreg:$0x1] =	wrdreg $0xFFFFFFFF  }
0xb3: {  	[dreg:$0x0] =	wrdreg $0x60  }
0xb4: {  	[dreg:$0x2] =	wrdreg s24  }
0xb5: {  	[dreg:$0x3] =	wrdreg s17  }
0xb6: {  	[dreg:$0x4] =	wrdreg s16  }
0xb7: {  	[dreg:$0x5] =	wrdreg $0x9  }
0xb8: {  	_ =	task.clear_ibuf [dreg:s8], $0x6FFFF;
	_ =	strace $0x90000046  }
0xb9: {  	s29 =	simm.s32 $0x9;
	_ =	strace $0x80000048  }
0xba: {  	_ =	swait.ge [sflag:s29], $0x1  }
0xbb: {  	[sflag:s29] =	ssyncadd.s32 $0xFFFFFFFF  }
0xbc: {  	_ =	strace $0x90000048  }
0xbd: {  	_ =	sfence  }
0xbe: {  	s30 =	sld [smem:$0x0];
	_ =	sdelay $0x2  }
0xbf: {  	s31 =	sshll.u32 s1, $0xD;
	s1 =	sshrl.u32 s1, $0x2  }
0xc0: {  	s3 =	sand.u32 $0x4000, s31;
	s1 =	sadd.s32 s1, s30  }
0xc1: {  	s0 =	sor.u32 s3, s0;
	s1 =	sshll.u32 s1, $0x11  }
0xc2: {  	s0 =	sor.u32 s1, s0  }
0xc3: {  	s0 =	sadd.s32 $0x8F2B, s0  }
0xc4: {  	[sflag:s0] =	ssyncadd.remote.s32 $0x1  }
0xc5: {  	_ =	sfence.sel $0xFFFF  }
0xc6: {  	[dreg:$0x0] =	wrdreg $0xFFFFFFFF;
	(pc) =	sbr.abs _section_cstart, $3  }
0xc7: {  	[dreg:$0x1] =	wrdreg $0xFFFFFFFF  }
0xc8: {  	_ =	task.clear_ibuf [dreg:s8], $0x2FFFF;
	_ =	strace $0x9FFFFFFF  }
0xc9: {  	(tm) =	ssettm $0x7FFFFFFF  }
tec
execute0_lowered:
.L_overlay_start_1:
0x0: {  	(tag) =	ssettag $0x1  }
0x1: {  	s3 =	rddreg [dreg:$0x0]  }
0x2: {  	s5 =	rddreg [dreg:$0x1]  }
0x3: {  	s6 =	rddreg [dreg:$0x2]  }
0x4: {  	s0 =	rddreg [dreg:$0x3];
	s2 =	simm.s32 $0x0;
	s1 =	stileid.u32  }
0x5: {  	s7 =	srdreg.scid;
	s14 =	simm.s32 $0x3000;
	s15 =	simm.s32 $0x3080  }
0x6: {  	s17 =	simm.s32 $0x3200;
	s18 =	simm.s32 $0x0;
	[smem:$0x7FF] =	sst s2  }
0x7: {  	s4 =	sshll.u32 s1, $0x9;
	s30 =	sand.u32 $0x1, s7;
	s31 =	sshll.u32 s1, $0x1  }
0x8: {  	s16 =	sand.u32 $0x1000, s4;
	_ =	strace $0x80000047;
	s7 =	sor.u32 s30, s31  }
0x9: {  	s4 =	ssub.s32 $0x2, s30;
	s8 =	sshrl.u32 s16, $0x3;
	s10 =	sshll.u32 s7, $0x3  }
0xa: {  	s7 =	sshll.u32 s7, $0xA;
	s12 =	sshrl.u32 s4, $0x1;
	v1 =	vmov s16;
	s16 =	simm.s32 $0x3100  }
0xb: {  	s9 =	sadd.s32 s8, s3;
	s11 =	sadd.s32 s10, s3;
	s13 =	sadd.s32 s7, s3  }
0xc: {  	s12 =	ssub.s32 s4, s12;
	s5 =	sadd.s32 s5, s8;
	s6 =	sadd.s32 s6, s10  }
0xd: {  	s3 =	sadd.s32 $0x1400, s9;
	s4 =	sadd.s32 $0x1000, s9;
	s7 =	sadd.s32 $0x1A00, s11  }
0xe: {  	v0 =	vlaneseq.u32;
	s8 =	sadd.s32 $0x1800, s11;
	s9 =	sadd.s32 $0x1C00, s13;
	s10 =	smax.u32 s12, $0x1  }
0xf: {  	v2 =	vor.u32 $0x10, v0;
	s11 =	simm.s32 $0x1;
	s12 =	simm.s32 $0x1000;
	s13 =	simm.s32 $0x2000  }
.LBB2_1:
0x10: {  	[tilespmem:s2], [sflag:$0x1] =	stream.linear.gather [hbm4b:s3+s2], $0x1000, $0x38;
	[tilespmem:$0x3600] =	vst v63  }
0x11: {  	_ =	swait.ge [sflag:s11], $0x1000  }
0x12: {  	[sflag:s11] =	ssyncset.done $0x0  }
0x13: {  	[sflag:s11] =	ssyncadd.s32 $0xFFFFF000  }
0x14: {  	[tilespmem:s12], [sflag:$0x1] =	stream.linear.gather [hbm4b:s4+s2], $0x1000, $0x38;
	[tilespmem:$0x3600] =	vst v63  }
0x15: {  	_ =	swait.ge [sflag:s11], $0x1000  }
0x16: {  	[sflag:s11] =	ssyncset.done $0x0  }
0x17: {  	[sflag:s11] =	ssyncadd.s32 $0xFFFFF000  }
0x18: {  	[tilespmem:s13], [sflag:$0x1] =	stream.linear.gather [hbm4b:s5+s2], $0x1000, $0x38;
	[tilespmem:$0x3600] =	vst v63  }
0x19: {  	_ =	swait.ge [sflag:s11], $0x1000  }
0x1a: {  	[sflag:s11] =	ssyncset.done $0x0  }
0x1b: {  	[sflag:s11] =	ssyncadd.s32 $0xFFFFF000  }
0x1c: {  	[tilespmem:s14], [sflag:$0x1] =	stream.linear.gather [hbm4b:s6+s2], $0x40, $0x38;
	[tilespmem:$0x3600] =	vst v63  }
0x1d: {  	_ =	swait.ge [sflag:s11], $0x40  }
0x1e: {  	[sflag:s11] =	ssyncset.done $0x0  }
0x1f: {  	[sflag:s11] =	ssyncadd.s32 $0xFFFFFFC0  }
0x20: {  	[tilespmem:s15], [sflag:$0x1] =	stream.linear.gather [hbm4b:s7+s2], $0x40, $0x38;
	[tilespmem:$0x3600] =	vst v63  }
0x21: {  	_ =	swait.ge [sflag:s11], $0x40  }
0x22: {  	[sflag:s11] =	ssyncset.done $0x0  }
0x23: {  	[sflag:s11] =	ssyncadd.s32 $0xFFFFFFC0  }
0x24: {  	[tilespmem:s16], [sflag:$0x1] =	stream.linear.gather [hbm4b:s8+s2], $0x40, $0x38;
	[tilespmem:$0x3600] =	vst v63  }
0x25: {  	_ =	swait.ge [sflag:s11], $0x40  }
0x26: {  	[sflag:s11] =	ssyncset.done $0x0  }
0x27: {  	s19 =	simm.s32 $0x0;
	[sflag:s11] =	ssyncadd.s32 $0xFFFFFFC0  }
.LBB2_2:
0x28: {  	s20 =	sshll.u32 s19, $0x3;
	s21 =	simm.s32 $0x0  }
.LBB2_3:
0x29: {  	s22 =	sadd.s32 s20, s21  }
0x2a: {  	v5 =	vmov s22;
	_ =	sdelay $0x4  }
0x2b: {  	v3 =	vld.idx.msk [tilespmem:v5+s14+$0x0], $0xffff  }
0x2c: {  	s23 =	simm.s32 $0x1020;
	s24 =	simm.s32 $0x2020;
	s25 =	simm.s32 $0x0;
	v4 =	vld.idx.msk [tilespmem:v5+s15+$0x0], $0xffff  }
0x2d: {  	s28 =	simm.s32 $0x0;
	s26 =	simm.s32 $0x0;
	s22 =	simm.s32 $0x20;
	v5 =	vld.idx.msk [tilespmem:v5+s16+$0x0], $0xffff  }
.LBB2_4:
0x2e: {  	v6 =	vld [tilespmem:s22+$0xFFFFFFE0]  }
0x2f: {  	v7 =	vld [tilespmem:s23+$0xFFFFFFE0];
	_ =	sdelay $0x1  }
0x30: {  	v8 =	vld [tilespmem:s24+$0xFFFFFFE0];
	_ =	sdelay $0x2  }
0x31: {  	v6 =	vsub.f32 v6, v3;
	v7 =	vsub.f32 v7, v4;
	_ =	sdelay $0x1  }
0x32: {  	v8 =	vsub.f32 v8, v5;
	v6 =	vmul.f32 v6, v6;
	v7 =	vmul.f32 v7, v7;
	_ =	sdelay $0x1  }
0x33: {  	v6 =	vadd.f32 v7, v6;
	v7 =	vmul.f32 v8, v8;
	_ =	sdelay $0x1  }
0x34: {  	v6 =	vadd.f32 v7, v6;
	_ =	sdelay $0x1  }
0x35: {  	vm0 =	vlt.f32 v6, $3.999999910e-02;
	v6 =	vor.u32 s25, v0  }
0x36: {  	[tilespmem:s28+$0x3180] =	vst.msk vm0, v6;
	v6 =	vmpcnt.ones.xlane vm0  }
0x37: {  	v7 =	vld [tilespmem:s22+$0xFFFFFFF0]  }
0x38: {  	(v2sf) =	vpush v6, $0x0;
	v6 =	vld [tilespmem:s23+$0xFFFFFFF0];
	_ =	sdelay $0x1  }
0x39: {  	v61 =	vld [tilespmem:s24+$0xFFFFFFF0];
	_ =	sdelay $0x2  }
0x3a: {  	v7 =	vsub.f32 v7, v3;
	v6 =	vsub.f32 v6, v4;
	_ =	sdelay $0x1  }
0x3b: {  	v8 =	vsub.f32 v61, v5;
	v7 =	vmul.f32 v7, v7;
	v6 =	vmul.f32 v6, v6;
	_ =	sdelay $0x1  }
0x3c: {  	v6 =	vadd.f32 v6, v7;
	v7 =	vmul.f32 v8, v8;
	_ =	sdelay $0x1  }
0x3d: {  	v6 =	vadd.f32 v7, v6;
	_ =	sdelay $0x1  }
0x3e: {  	vm13 =	vlt.f32 v6, $3.999999910e-02  }
0x3f: {  	v6 =	vmpcnt.ones.xlane vm13  }
0x40: {  	s30 =	sadd.s32 $0x10, s25;
	s29 =	spop (v2sf)  }
0x41: {  	v7 =	vor.u32 s30, v0;
	s28 =	sadd.s32 s28, s29;
	(v2sf) =	vpush v6, $0x0  }
0x42: {  	[tilespmem:s28+$0x3180] =	vst.msk vm13, v7  }
0x43: {  	v6 =	vld [tilespmem:s22+$0x0]  }
0x44: {  	v7 =	vld [tilespmem:s23+$0x0];
	_ =	sdelay $0x1  }
0x45: {  	v62 =	vld [tilespmem:s24+$0x0];
	_ =	sdelay $0x2  }
0x46: {  	v6 =	vsub.f32 v6, v3;
	v7 =	vsub.f32 v7, v4;
	_ =	sdelay $0x1  }
0x47: {  	v8 =	vsub.f32 v62, v5;
	v6 =	vmul.f32 v6, v6;
	v7 =	vmul.f32 v7, v7;
	_ =	sdelay $0x1  }
0x48: {  	v6 =	vadd.f32 v7, v6;
	v7 =	vmul.f32 v8, v8;
	_ =	sdelay $0x1  }
0x49: {  	v6 =	vadd.f32 v7, v6  }
0x4a: {  	s31 =	sadd.s32 $0x20, s25;
	s29 =	spop (v2sf)  }
0x4b: {  	vm14 =	vlt.f32 v6, $3.999999910e-02;
	v6 =	vor.u32 s31, v0;
	s28 =	sadd.s32 s28, s29  }
0x4c: {  	[tilespmem:s28+$0x3180] =	vst.msk vm14, v6  }
0x4d: {  	v6 =	vld [tilespmem:s22+$0x10]  }
0x4e: {  	v7 =	vld [tilespmem:s23+$0x10];
	_ =	sdelay $0x1  }
0x4f: {  	v63 =	vld [tilespmem:s24+$0x10];
	_ =	sdelay $0x2  }
0x50: {  	v6 =	vsub.f32 v6, v3;
	v7 =	vsub.f32 v7, v4;
	_ =	sdelay $0x1  }
0x51: {  	v8 =	vsub.f32 v63, v5;
	v6 =	vmul.f32 v6, v6;
	v7 =	vmul.f32 v7, v7;
	_ =	sdelay $0x1  }
0x52: {  	v6 =	vadd.f32 v7, v6;
	v7 =	vmul.f32 v8, v8;
	_ =	sdelay $0x1  }
0x53: {  	v6 =	vadd.f32 v7, v6;
	_ =	sdelay $0x1  }
0x54: {  	v7 =	vmpcnt.ones.xlane vm14;
	vm15 =	vlt.f32 v6, $3.999999910e-02  }
0x55: {  	v6 =	vmpcnt.ones.xlane vm15  }
0x56: {  	(v2sf) =	vpush v7, $0x0  }
0x57: {  	(v2sf) =	vpush v6, $0x0;
	_ =	sdelay $0xd  }
0x58: {  	s30 =	spop (v2sf)  }
0x59: {  	s29 =	sadd.s32 s28, s30;
	s28 =	spop (v2sf)  }
0x5a: {  	p0 =	sgt.u32 s26, $0xFB;
	s28 =	sadd.s32 s29, s28  }
0x5b: {  	p1 =	slt.s32 @!p0 s28, $0x20  }
0x5c: {  	p0 =	por p0, !p1  }
.Ltmp0:
0x5d: {  	_ = 	snop;
	(pc) =	sbr.rel @!p0 .LBB2_4-.Ltmp0, $4  }
0x5e: {  	_ = 	snop  }
0x5f: {  	s31 =	sadd.s32 $0x30, s25  }
0x60: {  	s26 =	sadd.s32 $0x4, s26;
	s25 =	sadd.s32 $0x40, s25;
	v6 =	vor.u32 s31, v0  }
0x61: {  	s22 =	sadd.s32 $0x40, s22;
	s23 =	sadd.s32 $0x40, s23;
	s24 =	sadd.s32 $0x40, s24;
	[tilespmem:s29+$0x3180] =	vst.msk vm15, v6  }
0x62: {  	v3 =	vld [tilespmem:$0x3180];
	_ =	sdelay $0x2  }
0x63: {  	p0 =	slt.s32 s28, $0x20;
	v4 =	vld [tilespmem:$0x3190]  }
0x64: {  	s22 =	sshll.u32 s21, $0x7;
	s21 =	sadd.s32 $0x1, s21;
	s28 =	simm.s32 @!p0 $0x20  }
0x65: {  	p0 =	sne.s32 s21, $0x8;
	v6 =	vmov s28;
	v5 =	vbroadcast v3, $0x0  }
.Ltmp1:
0x66: {  	vm0 =	vgt.s32 v6, v0;
	(pc) =	sbr.rel @p0 .LBB2_3-.Ltmp1, $4  }
0x67: {  	vm15 =	vgt.s32 v6, v2;
	v3 =	vsel vm0, v3, v5  }
0x68: {  	s22 =	sand.u32 $0x3FFFFF80, s22;
	v4 =	vsel vm15, v4, v5;
	v3 =	vadd.s32 v1, v3  }
0x69: {  	[tilespmem:s22+$0x3200] =	vst v3;
	v3 =	vadd.s32 v1, v4  }
0x6a: {  	[tilespmem:s22+$0x3210] =	vst v3  }
0x6b: {  	s20 =	sshll.u32 s19, $0x7;
	s19 =	sadd.s32 $0x1, s19  }
0x6c: {  	p0 =	sne.s32 s19, $0x8  }
.Ltmp2:
0x6d: {  	s20 =	sadd.s32 s20, s9;
	(pc) =	sbr.rel @p0 .LBB2_2-.Ltmp2, $4  }
0x6e: {  	[hbm4b:s20+s2] =	stream.linear.scatter [tilespmem:s17], [sflag:$0x1], $0x400, $0x38;
	[tilespmem:$0x3600] =	vst v63  }
0x6f: {  	_ =	swait.ge [sflag:s11], $0x400  }
0x70: {  	[sflag:s11] =	ssyncset.done $0x0  }
0x71: {  	[sflag:s11] =	ssyncadd.s32 $0xFFFFFC00  }
0x72: {  	s18 =	sadd.s32 $0x1, s18  }
0x73: {  	p0 =	sne.s32 s18, s10  }
.Ltmp3:
0x74: {  	_ = 	snop;
	(pc) =	sbr.rel @p0 .LBB2_1-.Ltmp3, $1  }
0x75: {  	_ =	sdelay $0x3  }
0x76: {  	_ =	sfence.sel $0x180000  }
0x77: {  	[bflag:$0x0] =	sbarrier.arrive $0xFFFF  }
0x78: {  	p0 =	sne.s32 s1, $0x0;
	_ =	strace $0x90000047  }
0x79: {  	s0 =	sadd.s32 @!p0 $0x100000, s0;
	[bflag:$0x2] =	sbarrier.arrive $0xFFFF  }
0x7a: {  	[sflag:s0] =	ssyncadd.tile.s32 @!p0 $0x1;
	_ =	shalt  }
.Lfunc_end2:
_tile_overlayer_lowered:
.L_overlay_start_2:
0x7b: {  	(tag) =	ssettag $0x2  }
0x7c: {  	s0 =	rddreg [dreg:$0x0];
	s2 =	stileid.u32  }
0x7d: {  	s1 =	rddreg [dreg:$0x1];
	p0 =	sne.s32 s2, $0x0  }
0x7e: {  	s3 =	rddreg [dreg:$0x2];
	[bflag:$0x3] =	sbarrier.arrive $0xFFFF;
	s2 =	simm.s32 @!p0 $0x1C01  }
0x7f: {  	[timem:s3], [sflag:s2] =	dma.local @!p0 [hbm:s0], s1  }
0x80: {  	s0 =	simm.s32 @!p0 $0x1  }
0x81: {  	_ =	swait.ge @!p0 [sflag:s0], s1  }
0x82: {  	s1 =	ssub.s32 @!p0 $0x0, s1;
	[sflag:s0] =	ssyncset.done @!p0 $0x0  }
0x83: {  	[sflag:s0] =	ssyncadd.s32 @!p0 s1  }
0x84: {  	[bflag:$0x3] =	sbarrier.arrive $0xFFFF  }
0x85: {  	_ =	shalt  }

// kernel: kernel.9.cloned.1.call-start
scs
__scs_entry_jumppad:
0x0: {  	(pc) =	sbr.rel $0x88, $3  }
0x1: {  	(tag) =	ssettag $0x0;
	lr =	simm.s32 $0x1  }
0x2: {  	[smem:$0x3F9E] =	sst lr;
	_ =	strace $0xD0000000  }
0x3: {  	_ = 	snop  }
0x4: {  	_ = 	snop  }
0x5: {  	_ = 	snop  }
0x6: {  	_ = 	snop  }
0x7: {  	_ = 	snop  }
__scs_overlays_trampoline_lowered:
0x8: {  	[smem:$0x3FAD] =	sst s0  }
0x9: {  	[smem:$0x3FAE] =	sst s1  }
0xa: {  	[smem:$0x3FAF] =	sst s2  }
0xb: {  	[smem:$0x3FB0] =	sst s3  }
0xc: {  	[smem:$0x3FB1] =	sst s4  }
0xd: {  	[smem:$0x3FB2] =	sst s5  }
0xe: {  	[smem:$0x3FB3] =	sst s6  }
0xf: {  	[smem:$0x3FB4] =	sst s7  }
0x10: {  	[smem:$0x3FB5] =	sst s8  }
0x11: {  	[smem:$0x3FB6] =	sst s9;
	s0 =	simm.s32 @!p0 $0x0  }
0x12: {  	s1 =	sld [smem:$0x3F9C];
	s0 =	simm.s32 @p0 $0x1  }
0x13: {  	[smem:$0x3FB7] =	sst s0;
	s0 =	simm.s32 @!p1 $0x0  }
0x14: {  	s2 =	sld [smem:$0x3F9B];
	s0 =	simm.s32 @p1 $0x1  }
0x15: {  	[smem:$0x3FB8] =	sst s0;
	s0 =	simm.s32 @!p2 $0x0  }
0x16: {  	s3 =	sld [smem:$0x3FDB];
	s0 =	simm.s32 @p2 $0x1  }
0x17: {  	s4 =	simm.s32 $0x1BF5;
	[smem:$0x3FBA] =	sst s0  }
0x18: {  	s0 =	sld [smem:$0x3F9D];
	_ =	swait.ge [sflag:s4], $0x0  }
0x19: {  	s7 =	sld [smem:$0x3F9E]  }
0x1a: {  	s8 =	sadd.s32 $0xFFFFE003, lr  }
0x1b: {  	s9 =	sadd.s32 $0xFFFFFEF7, lr;
	s5 =	simm.s32 $0xFFFFFFFF;
	p2 =	slt.u32 s8, $0xFFFFF086  }
0x1c: {  	p1 =	slt.u32 s9, $0xF7A;
	s5 =	simm.s32 @!p2 $0x0  }
0x1d: {  	s5 =	simm.s32 @p1 $0x1;
	p0 =	seq.s32 s7, s2  }
0x1e: {  	s7 =	smul.u32 @!p0 $0xF7A, s2;
	p2 =	seq.s32 @!p0 s5, $0x0  }
0x1f: {  	s9 =	smul.u32 $0xF7A, s1;
	s8 =	simm.s32 @!p0 $0x1BF5;
	p2 =	por !p2, p0  }
0x20: {  	[sflag:s8] =	ssyncset.s32 @!p0 $0xFFFFF086;
	s6 =	sadd.s32 @!p0 s3, s7;
	s7 =	simm.s32 @!p0 $0x108  }
0x21: {  	s3 =	sadd.s32 s3, s9;
	s6 =	sadd.s32 @!p0 $0x88, s6;
	s7 =	simm.s32 @p2 $0x1082  }
0x22: {  	[simem:s7], [sflag:s8] =	dma.local @!p0 [hbm:s6], $0xF7A  }
0x23: {  	s9 =	sor.u32 $0xD0000000, s2;
	s6 =	simm.s32 $0x108;
	_ =	swait.ge @!p0 [sflag:s8], $0x0  }
0x24: {  	s3 =	sadd.s32 $0x88, s3;
	s6 =	simm.s32 @!p1 $0x1082;
	[sflag:s4] =	ssyncset.s32 $0xFFFFF086  }
0x25: {  	[simem:s6], [sflag:s4] =	dma.local [hbm:s3], $0xF7A  }
0x26: {  	[smem:$0x3F9E] =	sst s1;
	(tag) =	ssettag s2;
	_ =	strace s9  }
0x27: {  	s1 =	sld [smem:$0x3FAE]  }
0x28: {  	s2 =	sld [smem:$0x3FAF]  }
0x29: {  	s4 =	sld [smem:$0x3FB1]  }
0x2a: {  	p0 =	seq.s32 s5, $0x0;
	s5 =	sld [smem:$0x3FB2]  }
0x2b: {  	s6 =	sld [smem:$0x3FB3]  }
0x2c: {  	s7 =	sld [smem:$0x3FB4]  }
0x2d: {  	s3 =	simm.s32 $0x108;
	s8 =	sld [smem:$0x3FB5]  }
0x2e: {  	s3 =	simm.s32 @!p0 $0x1082;
	s9 =	sld [smem:$0x3FB6]  }
0x2f: {  	lr =	sadd.s32 s0, s3;
	s0 =	sld [smem:$0x3FAD]  }
0x30: {  	s3 =	sld [smem:$0x3FB0]  }
0x31: {  	[smem:$0x3FB9] =	sst s10  }
0x32: {  	s10 =	sld [smem:$0x3FB7];
	_ =	sdelay $0x3  }
0x33: {  	p0 =	seq.s32 s10, $0x1;
	s10 =	sld [smem:$0x3FB9];
	_ =	sdelay $0x3  }
0x34: {  	[smem:$0x3FB9] =	sst s10  }
0x35: {  	s10 =	sld [smem:$0x3FB8];
	_ =	sdelay $0x3  }
0x36: {  	p1 =	seq.s32 s10, $0x1;
	s10 =	sld [smem:$0x3FB9];
	_ =	sdelay $0x3  }
0x37: {  	[smem:$0x3FB9] =	sst s10  }
0x38: {  	s10 =	sld [smem:$0x3FBA]  }
0x39: {  	_ = 	snop;
	(pc) =	sbr.ind lr, $3  }
0x3a: {  	_ = 	snop  }
0x3b: {  	_ = 	snop  }
0x3c: {  	p2 =	seq.s32 s10, $0x1;
	s10 =	sld [smem:$0x3FB9]  }
0x3d: {  	_ =	shalt  }
0x3e: {  	_ =	shalt  }
0x3f: {  	_ =	shalt  }
0x40: {  	_ =	shalt  }
0x41: {  	_ =	shalt  }
0x42: {  	_ =	shalt  }
0x43: {  	_ =	shalt  }
0x44: {  	_ =	shalt  }
0x45: {  	_ =	shalt  }
0x46: {  	_ =	shalt  }
0x47: {  	_ =	shalt  }
0x48: {  	_ =	shalt  }
0x49: {  	_ =	shalt  }
0x4a: {  	_ =	shalt  }
0x4b: {  	_ =	shalt  }
0x4c: {  	_ =	shalt  }
0x4d: {  	_ =	shalt  }
0x4e: {  	_ =	shalt  }
0x4f: {  	_ =	shalt  }
0x50: {  	_ =	shalt  }
0x51: {  	_ =	shalt  }
0x52: {  	_ =	shalt  }
0x53: {  	_ =	shalt  }
0x54: {  	_ =	shalt  }
0x55: {  	_ =	shalt  }
0x56: {  	_ =	shalt  }
0x57: {  	_ =	shalt  }
0x58: {  	_ =	shalt  }
0x59: {  	_ =	shalt  }
0x5a: {  	_ =	shalt  }
0x5b: {  	_ =	shalt  }
0x5c: {  	_ =	shalt  }
0x5d: {  	_ =	shalt  }
0x5e: {  	_ =	shalt  }
0x5f: {  	_ =	shalt  }
0x60: {  	_ =	shalt  }
0x61: {  	_ =	shalt  }
0x62: {  	_ =	shalt  }
0x63: {  	_ =	shalt  }
0x64: {  	_ =	shalt  }
0x65: {  	_ =	shalt  }
0x66: {  	_ =	shalt  }
0x67: {  	_ =	shalt  }
0x68: {  	_ =	shalt  }
0x69: {  	_ =	shalt  }
0x6a: {  	_ =	shalt  }
0x6b: {  	_ =	shalt  }
0x6c: {  	_ =	shalt  }
0x6d: {  	_ =	shalt  }
0x6e: {  	_ =	shalt  }
0x6f: {  	_ =	shalt  }
0x70: {  	_ =	shalt  }
0x71: {  	_ =	shalt  }
0x72: {  	_ =	shalt  }
0x73: {  	_ =	shalt  }
0x74: {  	_ =	shalt  }
0x75: {  	_ =	shalt  }
0x76: {  	_ =	shalt  }
0x77: {  	_ =	shalt  }
0x78: {  	_ =	shalt  }
0x79: {  	_ =	shalt  }
0x7a: {  	_ =	shalt  }
0x7b: {  	_ =	shalt  }
0x7c: {  	_ =	shalt  }
0x7d: {  	_ =	shalt  }
0x7e: {  	_ =	shalt  }
0x7f: {  	_ =	shalt  }
0x80: {  	_ =	shalt  }
0x81: {  	_ =	shalt  }
0x82: {  	_ =	shalt  }
0x83: {  	_ =	shalt  }
0x84: {  	_ =	shalt  }
0x85: {  	_ =	shalt  }
0x86: {  	_ =	shalt  }
0x87: {  	_ =	shalt  }
.Lfunc_end0:
.L_simem_size_0:
called_computation.1_lowered:
.L_overlay_start_0:
0x88: {  	s2 =	sld [smem:$0x3FD9]  }
0x89: {  	s3 =	sld [smem:$0x3FFE];
	_ =	sdelay $0x1  }
0x8a: {  	s1 =	srdreg.scid  }
0x8b: {  	s0 =	sand.u32 $0x1, s1  }
0x8c: {  	s14 =	sshll.u32 s0, $0xA;
	s2 =	sadd.s32 s3, s2  }
0x8d: {  	s2 =	sadd.s32 s2, s14  }
0x8e: {  	[smem:$0x3FC5] =	sst s2  }
0x8f: {  	_ = 	snop  }
0x90: {  	s2 =	sld [smem:$0x3FD0];
	_ =	sdelay $0x2  }
0x91: {  	s15 =	simm.s32 $0xA;
	s4 =	simm.s32 $0x10  }
0x92: {  	[smem:s4], [sflag:s15] =	dma.local [hbm:s2], $0x1  }
0x93: {  	_ =	swait.eq [sflag:s15], $0x1  }
0x94: {  	[sflag:s15] =	ssyncset.done $0x0  }
0x95: {  	[sflag:s15] =	ssyncadd.s32 $0xFFFFFFFF  }
0x96: {  	s16 =	sld [smem:$0x11];
	(tm) =	ssettm $0x1  }
0x97: {  	s17 =	sld [smem:$0x3FFB];
	_ =	sdelay $0x3  }
0x98: {  	_ =	strace s17  }
0x99: {  	s3 =	sld [smem:$0x3FFC];
	_ =	sdelay $0x3  }
0x9a: {  	_ =	strace s3  }
0x9b: {  	s3 =	sld [smem:$0x3FFD];
	_ =	sdelay $0x3  }
0x9c: {  	_ =	strace s3  }
0x9d: {  	_ =	strace $0x8FFFFFFF  }
0x9e: {  	s18 =	sld [smem:$0x3FDB];
	_ =	sdelay $0x1  }
0x9f: {  	s19 =	simm.s32 $_scs_section_size  }
0xa0: {  	s5 =	simm.s32 $_size__tile_overlayer_lowered;
	s6 =	simm.s32 $_tile_overlayer_lowered  }
0xa1: {  	s22 =	simm.s32 $0x1BFF;
	s21 =	sshll.u32 s6, $0x1;
	s3 =	sadd.s32 s19, s18  }
0xa2: {  	s7 =	simm.s32 $0x0;
	s20 =	sshll.u32 s5, $0x1;
	s5 =	sadd.s32 s21, s3  }
0xa3: {  	[timem:s7], [sflag:s22] =	dma.local [hbm:s5], s20  }
0xa4: {  	_ =	swait.ge [sflag:s22], s20  }
0xa5: {  	s4 =	ssub.s32 $0x0, s20;
	[sflag:s22] =	ssyncset.done $0x0  }
0xa6: {  	[sflag:s22] =	ssyncadd.s32 s4;
	_ =	sdelay $0x1  }
0xa7: {  	s23 =	simm.s32 $0x1B8B  }
0xa8: {  	_ =	swait.ge [sflag:s23], $0x1  }
0xa9: {  	[sflag:s23] =	ssyncset.done $0x0  }
0xaa: {  	s25 =	simm.s32 $0x1B8E;
	s24 =	sld [smem:$0x3FFE];
	[sflag:s23] =	ssyncadd.s32 $0xFFFFFFFF  }
0xab: {  	s26 =	simm.s32 $execute0_lowered;
	[smem:$0x3FD2] =	sst s25  }
0xac: {  	s5 =	sshll.u32 s26, $0x1;
	_ =	strace $0x80000049;
	[dreg:$0x1] =	wrdreg $0xFFFFFFFF  }
0xad: {  	s28 =	simm.s32 $_size_execute0_lowered;
	s3 =	sadd.s32 s3, s5;
	[dreg:$0x0] =	wrdreg $0x0  }
0xae: {  	s5 =	sshll.u32 s28, $0x1;
	[dreg:$0x2] =	wrdreg s3  }
0xaf: {  	[dreg:$0x3] =	wrdreg s5  }
0xb0: {  	[dreg:$0x4] =	wrdreg $0xC0  }
0xb1: {  	_ =	task [dreg:s7], $0x5FFFF  }
0xb2: {  	[dreg:$0x1] =	wrdreg $0xFFFFFFFF  }
0xb3: {  	[dreg:$0x0] =	wrdreg $0x60  }
0xb4: {  	[dreg:$0x2] =	wrdreg s24  }
0xb5: {  	[dreg:$0x3] =	wrdreg s16  }
0xb6: {  	[dreg:$0x4] =	wrdreg $0x9  }
0xb7: {  	_ =	task.clear_ibuf [dreg:s7], $0x5FFFF;
	_ =	strace $0x90000049  }
0xb8: {  	s29 =	simm.s32 $0x9;
	_ =	strace $0x8000004B  }
0xb9: {  	_ =	swait.ge [sflag:s29], $0x1  }
0xba: {  	[sflag:s29] =	ssyncadd.s32 $0xFFFFFFFF  }
0xbb: {  	_ =	strace $0x9000004B  }
0xbc: {  	_ =	sfence  }
0xbd: {  	s30 =	sld [smem:$0x0];
	_ =	sdelay $0x2  }
0xbe: {  	s31 =	sshll.u32 s1, $0xD;
	s1 =	sshrl.u32 s1, $0x2  }
0xbf: {  	s3 =	sand.u32 $0x4000, s31;
	s1 =	sadd.s32 s1, s30  }
0xc0: {  	s0 =	sor.u32 s3, s0;
	s1 =	sshll.u32 s1, $0x11  }
0xc1: {  	s0 =	sor.u32 s1, s0  }
0xc2: {  	s0 =	sadd.s32 $0x8F2B, s0  }
0xc3: {  	[sflag:s0] =	ssyncadd.remote.s32 $0x1  }
0xc4: {  	_ =	sfence.sel $0xFFFF  }
0xc5: {  	[dreg:$0x0] =	wrdreg $0xFFFFFFFF;
	(pc) =	sbr.abs _section_cstart, $3  }
0xc6: {  	[dreg:$0x1] =	wrdreg $0xFFFFFFFF  }
0xc7: {  	_ =	task.clear_ibuf [dreg:s7], $0x2FFFF;
	_ =	strace $0x9FFFFFFF  }
0xc8: {  	(tm) =	ssettm $0x7FFFFFFF  }
0xc9: {  	_ =	shalt  }
tec
execute0_lowered:
.L_overlay_start_1:
0x0: {  	(tag) =	ssettag $0x1  }
0x1: {  	s4 =	rddreg [dreg:$0x0]  }
0x2: {  	s6 =	rddreg [dreg:$0x1]  }
0x3: {  	s0 =	rddreg [dreg:$0x2];
	s2 =	simm.s32 $0x0;
	s1 =	stileid.u32  }
0x4: {  	s3 =	srdreg.scid;
	[smem:$0x7FF] =	sst s2  }
0x5: {  	s5 =	sshll.u32 s1, $0x10;
	s7 =	sand.u32 $0x1, s3;
	s3 =	sadd.s32 $0x9C00, s4  }
0x6: {  	s9 =	sshll.u32 s1, $0xC;
	_ =	strace $0x8000004A;
	s5 =	sadd.s32 s5, s4  }
0x7: {  	s29 =	ssub.s32 $0x2, s7;
	s10 =	sshll.u32 s7, $0xB;
	s7 =	sshll.u32 s7, $0xF  }
0x8: {  	s8 =	sshrl.u32 s29, $0x1;
	s30 =	sor.u32 s10, s9;
	s5 =	sadd.s32 s7, s5  }
0x9: {  	s7 =	simm.s32 $0x2;
	s9 =	simm.s32 $0x1;
	s10 =	simm.s32 $0x0  }
0xa: {  	s4 =	ssub.s32 s29, s8;
	s31 =	sshrl.u32 s30, $0x3;
	s5 =	sadd.s32 $0x29C00, s5  }
0xb: {  	s8 =	simm.s32 $0x80;
	s4 =	smax.u32 s4, $0x1;
	s6 =	sadd.s32 s31, s6  }
.LBB2_1:
0xc: {  	s11 =	sadd.s32 $0x0, s6  }
0xd: {  	[tilespmem:s2], [sflag:$0x2] =	stream.linear.gather [hbm4b:s11+s2], $0x80, $0x38;
	[tilespmem:$0x4080] =	vst v63  }
0xe: {  	_ =	swait.ge [sflag:s7], $0x80  }
0xf: {  	[sflag:s7] =	ssyncset.done $0x0  }
0x10: {  	[sflag:s7] =	ssyncadd.s32 $0xFFFFFF80  }
0x11: {  	[tilespmem:s8], [sflag:$0x1] =	stream.indirect.gather [hbm4b:s3+s8], $0x80, s2, s8, $0xb8;
	[tilespmem:$0x4080] =	vst v63  }
0x12: {  	_ =	swait.ge [sflag:s9], $0x4000  }
0x13: {  	[sflag:s9] =	ssyncset.done $0x0  }
0x14: {  	[sflag:s9] =	ssyncadd.s32 $0xFFFFC000  }
0x15: {  	[hbm4b:s5+s2] =	stream.linear.scatter [tilespmem:s8], [sflag:$0x2], $0x4000, $0x38;
	[tilespmem:$0x4080] =	vst v63  }
0x16: {  	s12 =	simm.s32 $0x10;
	_ =	swait.ge [sflag:s7], $0x4000  }
0x17: {  	s13 =	simm.s32 $0x20;
	s11 =	sadd.s32 $0x800, s5;
	[sflag:s7] =	ssyncset.done $0x0  }
.LBB2_2:
0x18: {  	s14 =	sadd.s32 s12, s6  }
0x19: {  	[sflag:s7] =	ssyncadd.s32 $0xFFFFC000;
	s12 =	smov.u32 s13;
	s15 =	sadd.s32 $0x10, s13  }
0x1a: {  	[tilespmem:s2], [sflag:$0x2] =	stream.linear.gather [hbm4b:s14+s2], $0x80, $0x38;
	[tilespmem:$0x4080] =	vst v63  }
0x1b: {  	p0 =	sne.s32 s13, $0xF0;
	_ =	swait.ge [sflag:s7], $0x80  }
0x1c: {  	[sflag:s7] =	ssyncset.done $0x0  }
0x1d: {  	[sflag:s7] =	ssyncadd.s32 $0xFFFFFF80  }
0x1e: {  	[tilespmem:s8], [sflag:$0x1] =	stream.indirect.gather [hbm4b:s3+s8], $0x80, s2, s8, $0xb8;
	[tilespmem:$0x4080] =	vst v63  }
0x1f: {  	_ =	swait.ge [sflag:s9], $0x4000  }
.Ltmp0:
0x20: {  	[sflag:s9] =	ssyncset.done $0x0;
	(pc) =	sbr.rel @p0 .LBB2_2-.Ltmp0, $4  }
0x21: {  	[sflag:s9] =	ssyncadd.s32 $0xFFFFC000  }
0x22: {  	[hbm4b:s11+s2] =	stream.linear.scatter [tilespmem:s8], [sflag:$0x2], $0x4000, $0x38;
	[tilespmem:$0x4080] =	vst v63  }
0x23: {  	_ =	swait.ge [sflag:s7], $0x4000  }
0x24: {  	s13 =	smov.u32 s15;
	s11 =	sadd.s32 $0x800, s11;
	[sflag:s7] =	ssyncset.done $0x0  }
0x25: {  	s12 =	sadd.s32 s12, s6;
	[sflag:s7] =	ssyncadd.s32 $0xFFFFC000  }
0x26: {  	[tilespmem:s2], [sflag:$0x2] =	stream.linear.gather [hbm4b:s12+s2], $0x80, $0x38;
	[tilespmem:$0x4080] =	vst v63  }
0x27: {  	_ =	swait.ge [sflag:s7], $0x80  }
0x28: {  	[sflag:s7] =	ssyncset.done $0x0  }
0x29: {  	[sflag:s7] =	ssyncadd.s32 $0xFFFFFF80  }
0x2a: {  	[tilespmem:s8], [sflag:$0x1] =	stream.indirect.gather [hbm4b:s3+s8], $0x80, s2, s8, $0xb8;
	[tilespmem:$0x4080] =	vst v63  }
0x2b: {  	s10 =	sadd.s32 $0x1, s10;
	_ =	swait.ge [sflag:s9], $0x4000  }
0x2c: {  	p0 =	sne.s32 s10, s4;
	[sflag:s9] =	ssyncset.done $0x0  }
.Ltmp1:
0x2d: {  	[sflag:s9] =	ssyncadd.s32 $0xFFFFC000;
	(pc) =	sbr.rel @p0 .LBB2_1-.Ltmp1, $4  }
0x2e: {  	[hbm4b:s11+s2] =	stream.linear.scatter [tilespmem:s8], [sflag:$0x2], $0x4000, $0x38;
	[tilespmem:$0x4080] =	vst v63  }
0x2f: {  	_ =	swait.ge [sflag:s7], $0x4000  }
0x30: {  	[sflag:s7] =	ssyncset.done $0x0  }
0x31: {  	[sflag:s7] =	ssyncadd.s32 $0xFFFFC000  }
0x32: {  	_ =	sfence.sel $0x180000  }
0x33: {  	[bflag:$0x0] =	sbarrier.arrive $0xFFFF  }
0x34: {  	p0 =	sne.s32 s1, $0x0;
	_ =	strace $0x9000004A  }
0x35: {  	s0 =	sadd.s32 @!p0 $0x100000, s0;
	[bflag:$0x2] =	sbarrier.arrive $0xFFFF  }
0x36: {  	[sflag:s0] =	ssyncadd.tile.s32 @!p0 $0x1;
	_ =	shalt  }
.Lfunc_end2:
_tile_overlayer_lowered:
.L_overlay_start_2:
0x37: {  	(tag) =	ssettag $0x2  }
0x38: {  	s0 =	rddreg [dreg:$0x0];
	s2 =	stileid.u32  }
0x39: {  	s1 =	rddreg [dreg:$0x1];
	p0 =	sne.s32 s2, $0x0  }
0x3a: {  	s3 =	rddreg [dreg:$0x2];
	[bflag:$0x3] =	sbarrier.arrive $0xFFFF;
	s2 =	simm.s32 @!p0 $0x1C02  }
0x3b: {  	[timem:s3], [sflag:s2] =	dma.local @!p0 [hbm:s0], s1  }
0x3c: {  	s0 =	simm.s32 @!p0 $0x2  }
0x3d: {  	_ =	swait.ge @!p0 [sflag:s0], s1  }
0x3e: {  	s1 =	ssub.s32 @!p0 $0x0, s1;
	[sflag:s0] =	ssyncset.done @!p0 $0x0  }
0x3f: {  	[sflag:s0] =	ssyncadd.s32 @!p0 s1  }
0x40: {  	[bflag:$0x3] =	sbarrier.arrive $0xFFFF  }
0x41: {  	_ =	shalt  }

</sc_bundles>
